<compile_context>
chip_gen: v7x
topology: tpu7x:2x2x1
jax: 0.10.2.dev20260603
libtpu: 0.0.44.dev20260713+nightly
codegen_flags: <defaults>
</compile_context>

<pallas_src>
import jax
import jax.numpy as jnp
from jax import lax
from jax.experimental import pallas as pl
from jax.experimental.pallas import tpu as pltpu
from jax.experimental.pallas import tpu_sc as plsc

VOCAB1 = 100001
EMBED = 64
HIDDEN = 128
BATCH = 16384

_INFO = plsc.get_sparse_core_info()
_NC = _INFO.num_cores
_NS = _INFO.num_subcores
_NW = _NC * _NS
_DPW = EMBED // _NW
_CHUNK = 4096
_NCHUNK = BATCH // _CHUNK


def _gather_t_body(tableT_hbm, ids_hbm, outT_hbm, ids_v, row_v, out_v, sem, rsem):
    wid = lax.axis_index("s") * _NC + lax.axis_index("c")
    row_cp = pltpu.async_copy(tableT_hbm.at[wid * _DPW], row_v, rsem)
    pltpu.sync_copy(ids_hbm, ids_v)
    row_cp.wait()
    pending = []
    for rr in range(_DPW):
        r = wid * _DPW + rr
        if rr > 0:
            pltpu.sync_copy(tableT_hbm.at[r], row_v)
        for c in range(_NCHUNK):
            buf = (rr * _NCHUNK + c) % 2
            if len(pending) >= 2:
                pending.pop(0).wait()

            @plsc.parallel_loop(0, _CHUNK // 16, unroll=16)
            def body(k, c=c, buf=buf):
                idx = ids_v[pl.ds(c * _CHUNK + k * 16, 16)]
                out_v[buf, pl.ds(k * 16, 16)] = plsc.load_gather(row_v, [idx])

            pending.append(
                pltpu.async_copy(
                    out_v.at[buf], outT_hbm.at[r, pl.ds(c * _CHUNK, _CHUNK)], sem
                )
            )
    for p in pending:
        p.wait()


_gather_t = pl.kernel(
    _gather_t_body,
    mesh=plsc.VectorSubcoreMesh(core_axis_name="c", subcore_axis_name="s"),
    out_type=jax.ShapeDtypeStruct((EMBED, BATCH), jnp.float32),
    scratch_types=[
        pltpu.VMEM((BATCH,), jnp.int32),
        pltpu.VMEM((VOCAB1,), jnp.float32),
        pltpu.VMEM((2, _CHUNK), jnp.float32),
        pltpu.SemaphoreType.DMA,
        pltpu.SemaphoreType.DMA,
    ],
    compiler_params=pltpu.CompilerParams(
        needs_layout_passes=False, skip_device_barrier=True
    ),
)


_TB = 8192


def _mlp_t_body(xT_ref, w1_ref, b1_ref, w2_ref, b2_ref, oT_ref):
    xT = xT_ref[...]
    h = lax.dot_general(
        w1_ref[...], xT, (((0,), (0,)), ((), ())),
        preferred_element_type=jnp.float32,
    )
    h = jnp.maximum(h + b1_ref[...], 0.0)
    o = lax.dot_general(
        w2_ref[...], h, (((0,), (0,)), ((), ())),
        preferred_element_type=jnp.float32,
    )
    oT_ref[...] = o + b2_ref[...]


_mlp_t = pl.pallas_call(
    _mlp_t_body,
    grid=(BATCH // _TB,),
    in_specs=[
        pl.BlockSpec((EMBED, _TB), lambda i: (0, i)),
        pl.BlockSpec((EMBED, HIDDEN), lambda i: (0, 0)),
        pl.BlockSpec((HIDDEN, 1), lambda i: (0, 0)),
        pl.BlockSpec((HIDDEN, EMBED), lambda i: (0, 0)),
        pl.BlockSpec((EMBED, 1), lambda i: (0, 0)),
    ],
    out_specs=pl.BlockSpec((EMBED, _TB), lambda i: (0, i)),
    out_shape=jax.ShapeDtypeStruct((EMBED, BATCH), jnp.float32),
)


def kernel(user_id, table, W1, b1, W2, b2):
    xT = _gather_t(table.T, user_id.astype(jnp.int32))
    outT = _mlp_t(xT, W1, b1.reshape(HIDDEN, 1), W2, b2.reshape(EMBED, 1))
    return outT.T

# --- scband reference (transcript-rebuilt; emitter-appended) ---
"""Pipeline reference for scband-user-model-68040871903484 (READ-ONLY COPY).

The authoritative reference and input builder live on the scoring server;
editing this copy changes nothing except your own understanding.
"""

import jax, jax.numpy as jnp
import numpy as np

VOCAB = 100000
EMBED_DIM = 64
HIDDEN = 128
BATCH = 16384

def setup_inputs(seed: int = 0) -> dict:
    key = jax.random.key(seed)
    k1, k2, k3, k4, k5, k6 = jax.random.split(key, 6)
    # StringLookup maps strings -> int ids in [0, vocab]; we model post-lookup int ids directly
    user_id = jax.random.randint(k1, (BATCH,), 0, VOCAB + 1)
    # Embedding table: (vocab + 1, embed_dim) to match len(user_vocab) + 1
    table = jax.random.normal(k2, (VOCAB + 1, EMBED_DIM), dtype=jnp.float32) * 0.05
    # Dense(128, relu) then Dense(64)
    W1 = jax.random.normal(k3, (EMBED_DIM, HIDDEN), dtype=jnp.float32) * (1.0 / np.sqrt(EMBED_DIM))
    b1 = jnp.zeros((HIDDEN,), dtype=jnp.float32)
    W2 = jax.random.normal(k4, (HIDDEN, EMBED_DIM), dtype=jnp.float32) * (1.0 / np.sqrt(HIDDEN))
    b2 = jnp.zeros((EMBED_DIM,), dtype=jnp.float32)
    return {"user_id": user_id, "table": table, "W1": W1, "b1": b1, "W2": W2, "b2": b2}

def reference(user_id, table, W1, b1, W2, b2):
    # lookup (StringLookup already folded into int ids) -> embedding gather
    x = jnp.take(table, user_id, axis=0)            # [B, 64]
    # dnn: Dense(128, relu) -> Dense(64)
    h = jax.nn.relu(x @ W1 + b1)                    # [B, 128]
    out = h @ W2 + b2                               # [B, 64]
    return out

if __name__ == "__main__":
    import jax
    _d = setup_inputs()
    print(jax.jit(kernel)(*tuple(_d.values())))

</pallas_src>

<mosaic_0001>
#map = affine_map<(d0, d1) -> (0, 0)>
#map1 = affine_map<(d0, d1) -> (0)>
module attributes {stable_mosaic.version = 14 : i64} {
  func.func @_gather_t_body(%arg0: i32, %arg1: i32, %arg2: memref<64x100001xf32, #tpu.memory_space<hbm>>, %arg3: memref<16384xi32, #tpu.memory_space<hbm>>, %arg4: memref<64x16384xf32, #tpu.memory_space<hbm>>, %arg5: memref<16384xi32, #tpu.memory_space<vmem>>, %arg6: memref<100001xf32, #tpu.memory_space<vmem>>, %arg7: memref<2x4096xf32, #tpu.memory_space<vmem>>, %arg8: memref<!tpu.dma_semaphore, #tpu.memory_space<semaphore_mem>>, %arg9: memref<!tpu.dma_semaphore, #tpu.memory_space<semaphore_mem>>) attributes {dimension_semantics = [#tpu.dimension_semantics<core_parallel>, #tpu.dimension_semantics<subcore_parallel>], iteration_bounds = array<i64: 2, 16>, scalar_prefetch = 0 : i64, scratch_operands = 5 : i64, tpu.core_type = #tpu.core_type<sc_vector_subcore>, window_params = [{transform_indices = #map}, {transform_indices = #map1}, {transform_indices = #map}]} {
    %mul3A = arith.constant 2 : i32
    %mul3A_0 = arith.muli %arg1, %mul3A : i32
    %add3A = arith.addi %mul3A_0, %arg0 : i32
    %mul3A_1 = arith.constant 2 : i32
    %mul3A_2 = arith.muli %add3A, %mul3A_1 : i32
    %dma_start3A = arith.constant 0 : i32
    %dma_start3A_3 = tpu.memref_slice %arg2[%mul3A_2, %dma_start3A] : memref<64x100001xf32, #tpu.memory_space<hbm>> -> memref<1x100001xf32, #tpu.memory_space<hbm>>
    %dma_start3A_4 = tpu.memref_squeeze %dma_start3A_3 : memref<1x100001xf32, #tpu.memory_space<hbm>> -> memref<100001xf32, #tpu.memory_space<hbm>>
    %dma_start3A_5 = arith.constant 0 : i32
    %dma_start3A_6 = tpu.memref_slice %arg2[%mul3A_2, %dma_start3A_5] : memref<64x100001xf32, #tpu.memory_space<hbm>> -> memref<1x100001xf32, #tpu.memory_space<hbm>>
    %dma_start3A_7 = tpu.memref_squeeze %dma_start3A_6 : memref<1x100001xf32, #tpu.memory_space<hbm>> -> memref<100001xf32, #tpu.memory_space<hbm>>
    tpu.enqueue_dma source(%dma_start3A_7 : memref<100001xf32, #tpu.memory_space<hbm>>) target(%arg6 : memref<100001xf32, #tpu.memory_space<vmem>>) target_semaphore(%arg9 : memref<!tpu.dma_semaphore, #tpu.memory_space<semaphore_mem>>)
    "tpu.region"() ({
      %run_scoped3A = tpu.sem_alloc : memref<!tpu.dma_semaphore, #tpu.memory_space<semaphore_mem>>
      tpu.enqueue_dma source(%arg3 : memref<16384xi32, #tpu.memory_space<hbm>>) target(%arg5 : memref<16384xi32, #tpu.memory_space<vmem>>) target_semaphore(%run_scoped3A : memref<!tpu.dma_semaphore, #tpu.memory_space<semaphore_mem>>)
      tpu.wait_dma2 semaphore(%run_scoped3A : memref<!tpu.dma_semaphore, #tpu.memory_space<semaphore_mem>>) src(%arg3 : memref<16384xi32, #tpu.memory_space<hbm>>) dst(%arg5 : memref<16384xi32, #tpu.memory_space<vmem>>)
      tpu.yield
    }) : () -> ()
    %dma_wait3A = arith.constant 0 : i32
    %dma_wait3A_8 = tpu.memref_slice %arg2[%mul3A_2, %dma_wait3A] : memref<64x100001xf32, #tpu.memory_space<hbm>> -> memref<1x100001xf32, #tpu.memory_space<hbm>>
    %dma_wait3A_9 = tpu.memref_squeeze %dma_wait3A_8 : memref<1x100001xf32, #tpu.memory_space<hbm>> -> memref<100001xf32, #tpu.memory_space<hbm>>
    %dma_wait3A_10 = arith.constant 0 : i32
    %dma_wait3A_11 = tpu.memref_slice %arg2[%mul3A_2, %dma_wait3A_10] : memref<64x100001xf32, #tpu.memory_space<hbm>> -> memref<1x100001xf32, #tpu.memory_space<hbm>>
    %dma_wait3A_12 = tpu.memref_squeeze %dma_wait3A_11 : memref<1x100001xf32, #tpu.memory_space<hbm>> -> memref<100001xf32, #tpu.memory_space<hbm>>
    tpu.wait_dma2 semaphore(%arg9 : memref<!tpu.dma_semaphore, #tpu.memory_space<semaphore_mem>>) src(%dma_wait3A_12 : memref<100001xf32, #tpu.memory_space<hbm>>) dst(%arg6 : memref<100001xf32, #tpu.memory_space<vmem>>)
    %mul3A_13 = arith.constant 2 : i32
    %mul3A_14 = arith.muli %add3A, %mul3A_13 : i32
    %add3A_15 = arith.constant 0 : i32
    %add3A_16 = arith.addi %mul3A_14, %add3A_15 : i32
    %parallel_loop3A = arith.constant 0 : i32
    %parallel_loop3A_17 = arith.constant 256 : i32
    %parallel_loop3A_18 = arith.constant 1 : i32
    scf.for %parallel_loop3A_252 = %parallel_loop3A to %parallel_loop3A_17 step %parallel_loop3A_18  : i32 {
      %parallel_loop3A_253 = arith.constant 16 : i32
      %parallel_loop3A_254 = arith.muli %parallel_loop3A_252, %parallel_loop3A_253 : i32
      %parallel_loop3A_255 = arith.constant 0 : i32
      %parallel_loop3A_256 = arith.addi %parallel_loop3A_255, %parallel_loop3A_254 : i32
      %parallel_loop3A_257 = arith.index_cast %parallel_loop3A_256 : i32 to index
      %parallel_loop3A_258 = tpu.vector_load %arg5[%parallel_loop3A_257] {strides = array<i32>} : memref<16384xi32, #tpu.memory_space<vmem>>, vector<16xi32>,
      %parallel_loop3A_259 = tpu.vector_load_idx %arg6[%parallel_loop3A_258] : memref<100001xf32, #tpu.memory_space<vmem>>[vector<16xi32>], vector<16xf32>,
      %parallel_loop3A_260 = arith.constant 16 : i32
      %parallel_loop3A_261 = arith.muli %parallel_loop3A_252, %parallel_loop3A_260 : i32
      %parallel_loop3A_262 = arith.constant 0 : i32
      %parallel_loop3A_263 = arith.index_cast %parallel_loop3A_262 : i32 to index
      %parallel_loop3A_264 = arith.index_cast %parallel_loop3A_261 : i32 to index
      %parallel_loop3A_265 = tpu.vector_load %arg7[%parallel_loop3A_263, %parallel_loop3A_264] {strides = array<i32>} : memref<2x4096xf32, #tpu.memory_space<vmem>>, vector<16xf32>,
      tpu.vector_store %arg7[%parallel_loop3A_263, %parallel_loop3A_264], %parallel_loop3A_259 {strides = array<i32>} : memref<2x4096xf32, #tpu.memory_space<vmem>>, vector<16xf32>,
    } {sc.loop_unroll_factor = 16 : i64, sc.parallel_access}
    %dma_start3A_19 = arith.constant 0 : i32
    %dma_start3A_20 = arith.constant 0 : i32
    %dma_start3A_21 = tpu.memref_slice %arg7[%dma_start3A_19, %dma_start3A_20] : memref<2x4096xf32, #tpu.memory_space<vmem>> -> memref<1x4096xf32, #tpu.memory_space<vmem>>
    %dma_start3A_22 = tpu.memref_squeeze %dma_start3A_21 : memref<1x4096xf32, #tpu.memory_space<vmem>> -> memref<4096xf32, #tpu.memory_space<vmem>>
    %dma_start3A_23 = arith.constant 0 : i32
    %dma_start3A_24 = tpu.memref_slice %arg4[%add3A_16, %dma_start3A_23] : memref<64x16384xf32, #tpu.memory_space<hbm>> -> memref<1x4096xf32, #tpu.memory_space<hbm>>
    %dma_start3A_25 = tpu.memref_squeeze %dma_start3A_24 : memref<1x4096xf32, #tpu.memory_space<hbm>> -> memref<4096xf32, #tpu.memory_space<hbm>>
    %dma_start3A_26 = arith.constant 0 : i32
    %dma_start3A_27 = tpu.memref_slice %arg4[%add3A_16, %dma_start3A_26] : memref<64x16384xf32, #tpu.memory_space<hbm>> -> memref<1x4096xf32, #tpu.memory_space<hbm>>
    %dma_start3A_28 = tpu.memref_squeeze %dma_start3A_27 : memref<1x4096xf32, #tpu.memory_space<hbm>> -> memref<4096xf32, #tpu.memory_space<hbm>>
    %dma_start3A_29 = arith.constant 0 : i32
    %dma_start3A_30 = tpu.memref_slice %arg7[%dma_start3A_19, %dma_start3A_29] : memref<2x4096xf32, #tpu.memory_space<vmem>> -> memref<1x4096xf32, #tpu.memory_space<vmem>>
    %dma_start3A_31 = tpu.memref_squeeze %dma_start3A_30 : memref<1x4096xf32, #tpu.memory_space<vmem>> -> memref<4096xf32, #tpu.memory_space<vmem>>
    tpu.enqueue_dma source(%dma_start3A_31 : memref<4096xf32, #tpu.memory_space<vmem>>) target(%dma_start3A_28 : memref<4096xf32, #tpu.memory_space<hbm>>) target_semaphore(%arg8 : memref<!tpu.dma_semaphore, #tpu.memory_space<semaphore_mem>>)
    %parallel_loop3A_32 = arith.constant 0 : i32
    %parallel_loop3A_33 = arith.constant 256 : i32
    %parallel_loop3A_34 = arith.constant 1 : i32
    scf.for %parallel_loop3A_252 = %parallel_loop3A_32 to %parallel_loop3A_33 step %parallel_loop3A_34  : i32 {
      %parallel_loop3A_253 = arith.constant 16 : i32
      %parallel_loop3A_254 = arith.muli %parallel_loop3A_252, %parallel_loop3A_253 : i32
      %parallel_loop3A_255 = arith.constant 4096 : i32
      %parallel_loop3A_256 = arith.addi %parallel_loop3A_255, %parallel_loop3A_254 : i32
      %parallel_loop3A_257 = arith.index_cast %parallel_loop3A_256 : i32 to index
      %parallel_loop3A_258 = tpu.vector_load %arg5[%parallel_loop3A_257] {strides = array<i32>} : memref<16384xi32, #tpu.memory_space<vmem>>, vector<16xi32>,
      %parallel_loop3A_259 = tpu.vector_load_idx %arg6[%parallel_loop3A_258] : memref<100001xf32, #tpu.memory_space<vmem>>[vector<16xi32>], vector<16xf32>,
      %parallel_loop3A_260 = arith.constant 16 : i32
      %parallel_loop3A_261 = arith.muli %parallel_loop3A_252, %parallel_loop3A_260 : i32
      %parallel_loop3A_262 = arith.constant 1 : i32
      %parallel_loop3A_263 = arith.index_cast %parallel_loop3A_262 : i32 to index
      %parallel_loop3A_264 = arith.index_cast %parallel_loop3A_261 : i32 to index
      %parallel_loop3A_265 = tpu.vector_load %arg7[%parallel_loop3A_263, %parallel_loop3A_264] {strides = array<i32>} : memref<2x4096xf32, #tpu.memory_space<vmem>>, vector<16xf32>,
      tpu.vector_store %arg7[%parallel_loop3A_263, %parallel_loop3A_264], %parallel_loop3A_259 {strides = array<i32>} : memref<2x4096xf32, #tpu.memory_space<vmem>>, vector<16xf32>,
    } {sc.loop_unroll_factor = 16 : i64, sc.parallel_access}
    %dma_start3A_35 = arith.constant 1 : i32
    %dma_start3A_36 = arith.constant 0 : i32
    %dma_start3A_37 = tpu.memref_slice %arg7[%dma_start3A_35, %dma_start3A_36] : memref<2x4096xf32, #tpu.memory_space<vmem>> -> memref<1x4096xf32, #tpu.memory_space<vmem>>
    %dma_start3A_38 = tpu.memref_squeeze %dma_start3A_37 : memref<1x4096xf32, #tpu.memory_space<vmem>> -> memref<4096xf32, #tpu.memory_space<vmem>>
    %dma_start3A_39 = arith.constant 4096 : i32
    %dma_start3A_40 = tpu.memref_slice %arg4[%add3A_16, %dma_start3A_39] : memref<64x16384xf32, #tpu.memory_space<hbm>> -> memref<1x4096xf32, #tpu.memory_space<hbm>>
    %dma_start3A_41 = tpu.memref_squeeze %dma_start3A_40 : memref<1x4096xf32, #tpu.memory_space<hbm>> -> memref<4096xf32, #tpu.memory_space<hbm>>
    %dma_start3A_42 = arith.constant 4096 : i32
    %dma_start3A_43 = tpu.memref_slice %arg4[%add3A_16, %dma_start3A_42] : memref<64x16384xf32, #tpu.memory_space<hbm>> -> memref<1x4096xf32, #tpu.memory_space<hbm>>
    %dma_start3A_44 = tpu.memref_squeeze %dma_start3A_43 : memref<1x4096xf32, #tpu.memory_space<hbm>> -> memref<4096xf32, #tpu.memory_space<hbm>>
    %dma_start3A_45 = arith.constant 0 : i32
    %dma_start3A_46 = tpu.memref_slice %arg7[%dma_start3A_35, %dma_start3A_45] : memref<2x4096xf32, #tpu.memory_space<vmem>> -> memref<1x4096xf32, #tpu.memory_space<vmem>>
    %dma_start3A_47 = tpu.memref_squeeze %dma_start3A_46 : memref<1x4096xf32, #tpu.memory_space<vmem>> -> memref<4096xf32, #tpu.memory_space<vmem>>
    tpu.enqueue_dma source(%dma_start3A_47 : memref<4096xf32, #tpu.memory_space<vmem>>) target(%dma_start3A_44 : memref<4096xf32, #tpu.memory_space<hbm>>) target_semaphore(%arg8 : memref<!tpu.dma_semaphore, #tpu.memory_space<semaphore_mem>>)
    %dma_wait3A_48 = arith.constant 0 : i32
    %dma_wait3A_49 = arith.constant 0 : i32
    %dma_wait3A_50 = tpu.memref_slice %arg7[%dma_wait3A_48, %dma_wait3A_49] : memref<2x4096xf32, #tpu.memory_space<vmem>> -> memref<1x4096xf32, #tpu.memory_space<vmem>>
    %dma_wait3A_51 = tpu.memref_squeeze %dma_wait3A_50 : memref<1x4096xf32, #tpu.memory_space<vmem>> -> memref<4096xf32, #tpu.memory_space<vmem>>
    %dma_wait3A_52 = arith.constant 0 : i32
    %dma_wait3A_53 = tpu.memref_slice %arg4[%add3A_16, %dma_wait3A_52] : memref<64x16384xf32, #tpu.memory_space<hbm>> -> memref<1x4096xf32, #tpu.memory_space<hbm>>
    %dma_wait3A_54 = tpu.memref_squeeze %dma_wait3A_53 : memref<1x4096xf32, #tpu.memory_space<hbm>> -> memref<4096xf32, #tpu.memory_space<hbm>>
    %dma_wait3A_55 = arith.constant 0 : i32
    %dma_wait3A_56 = tpu.memref_slice %arg4[%add3A_16, %dma_wait3A_55] : memref<64x16384xf32, #tpu.memory_space<hbm>> -> memref<1x4096xf32, #tpu.memory_space<hbm>>
    %dma_wait3A_57 = tpu.memref_squeeze %dma_wait3A_56 : memref<1x4096xf32, #tpu.memory_space<hbm>> -> memref<4096xf32, #tpu.memory_space<hbm>>
    %dma_wait3A_58 = arith.constant 0 : i32
    %dma_wait3A_59 = tpu.memref_slice %arg7[%dma_wait3A_48, %dma_wait3A_58] : memref<2x4096xf32, #tpu.memory_space<vmem>> -> memref<1x4096xf32, #tpu.memory_space<vmem>>
    %dma_wait3A_60 = tpu.memref_squeeze %dma_wait3A_59 : memref<1x4096xf32, #tpu.memory_space<vmem>> -> memref<4096xf32, #tpu.memory_space<vmem>>
    tpu.wait_dma2 semaphore(%arg8 : memref<!tpu.dma_semaphore, #tpu.memory_space<semaphore_mem>>) src(%dma_wait3A_60 : memref<4096xf32, #tpu.memory_space<vmem>>) dst(%dma_wait3A_57 : memref<4096xf32, #tpu.memory_space<hbm>>)
    %parallel_loop3A_61 = arith.constant 0 : i32
    %parallel_loop3A_62 = arith.constant 256 : i32
    %parallel_loop3A_63 = arith.constant 1 : i32
    scf.for %parallel_loop3A_252 = %parallel_loop3A_61 to %parallel_loop3A_62 step %parallel_loop3A_63  : i32 {
      %parallel_loop3A_253 = arith.constant 16 : i32
      %parallel_loop3A_254 = arith.muli %parallel_loop3A_252, %parallel_loop3A_253 : i32
      %parallel_loop3A_255 = arith.constant 8192 : i32
      %parallel_loop3A_256 = arith.addi %parallel_loop3A_255, %parallel_loop3A_254 : i32
      %parallel_loop3A_257 = arith.index_cast %parallel_loop3A_256 : i32 to index
      %parallel_loop3A_258 = tpu.vector_load %arg5[%parallel_loop3A_257] {strides = array<i32>} : memref<16384xi32, #tpu.memory_space<vmem>>, vector<16xi32>,
      %parallel_loop3A_259 = tpu.vector_load_idx %arg6[%parallel_loop3A_258] : memref<100001xf32, #tpu.memory_space<vmem>>[vector<16xi32>], vector<16xf32>,
      %parallel_loop3A_260 = arith.constant 16 : i32
      %parallel_loop3A_261 = arith.muli %parallel_loop3A_252, %parallel_loop3A_260 : i32
      %parallel_loop3A_262 = arith.constant 0 : i32
      %parallel_loop3A_263 = arith.index_cast %parallel_loop3A_262 : i32 to index
      %parallel_loop3A_264 = arith.index_cast %parallel_loop3A_261 : i32 to index
      %parallel_loop3A_265 = tpu.vector_load %arg7[%parallel_loop3A_263, %parallel_loop3A_264] {strides = array<i32>} : memref<2x4096xf32, #tpu.memory_space<vmem>>, vector<16xf32>,
      tpu.vector_store %arg7[%parallel_loop3A_263, %parallel_loop3A_264], %parallel_loop3A_259 {strides = array<i32>} : memref<2x4096xf32, #tpu.memory_space<vmem>>, vector<16xf32>,
    } {sc.loop_unroll_factor = 16 : i64, sc.parallel_access}
    %dma_start3A_64 = arith.constant 0 : i32
    %dma_start3A_65 = arith.constant 0 : i32
    %dma_start3A_66 = tpu.memref_slice %arg7[%dma_start3A_64, %dma_start3A_65] : memref<2x4096xf32, #tpu.memory_space<vmem>> -> memref<1x4096xf32, #tpu.memory_space<vmem>>
    %dma_start3A_67 = tpu.memref_squeeze %dma_start3A_66 : memref<1x4096xf32, #tpu.memory_space<vmem>> -> memref<4096xf32, #tpu.memory_space<vmem>>
    %dma_start3A_68 = arith.constant 8192 : i32
    %dma_start3A_69 = tpu.memref_slice %arg4[%add3A_16, %dma_start3A_68] : memref<64x16384xf32, #tpu.memory_space<hbm>> -> memref<1x4096xf32, #tpu.memory_space<hbm>>
    %dma_start3A_70 = tpu.memref_squeeze %dma_start3A_69 : memref<1x4096xf32, #tpu.memory_space<hbm>> -> memref<4096xf32, #tpu.memory_space<hbm>>
    %dma_start3A_71 = arith.constant 8192 : i32
    %dma_start3A_72 = tpu.memref_slice %arg4[%add3A_16, %dma_start3A_71] : memref<64x16384xf32, #tpu.memory_space<hbm>> -> memref<1x4096xf32, #tpu.memory_space<hbm>>
    %dma_start3A_73 = tpu.memref_squeeze %dma_start3A_72 : memref<1x4096xf32, #tpu.memory_space<hbm>> -> memref<4096xf32, #tpu.memory_space<hbm>>
    %dma_start3A_74 = arith.constant 0 : i32
    %dma_start3A_75 = tpu.memref_slice %arg7[%dma_start3A_64, %dma_start3A_74] : memref<2x4096xf32, #tpu.memory_space<vmem>> -> memref<1x4096xf32, #tpu.memory_space<vmem>>
    %dma_start3A_76 = tpu.memref_squeeze %dma_start3A_75 : memref<1x4096xf32, #tpu.memory_space<vmem>> -> memref<4096xf32, #tpu.memory_space<vmem>>
    tpu.enqueue_dma source(%dma_start3A_76 : memref<4096xf32, #tpu.memory_space<vmem>>) target(%dma_start3A_73 : memref<4096xf32, #tpu.memory_space<hbm>>) target_semaphore(%arg8 : memref<!tpu.dma_semaphore, #tpu.memory_space<semaphore_mem>>)
    %dma_wait3A_77 = arith.constant 1 : i32
    %dma_wait3A_78 = arith.constant 0 : i32
    %dma_wait3A_79 = tpu.memref_slice %arg7[%dma_wait3A_77, %dma_wait3A_78] : memref<2x4096xf32, #tpu.memory_space<vmem>> -> memref<1x4096xf32, #tpu.memory_space<vmem>>
    %dma_wait3A_80 = tpu.memref_squeeze %dma_wait3A_79 : memref<1x4096xf32, #tpu.memory_space<vmem>> -> memref<4096xf32, #tpu.memory_space<vmem>>
    %dma_wait3A_81 = arith.constant 4096 : i32
    %dma_wait3A_82 = tpu.memref_slice %arg4[%add3A_16, %dma_wait3A_81] : memref<64x16384xf32, #tpu.memory_space<hbm>> -> memref<1x4096xf32, #tpu.memory_space<hbm>>
    %dma_wait3A_83 = tpu.memref_squeeze %dma_wait3A_82 : memref<1x4096xf32, #tpu.memory_space<hbm>> -> memref<4096xf32, #tpu.memory_space<hbm>>
    %dma_wait3A_84 = arith.constant 4096 : i32
    %dma_wait3A_85 = tpu.memref_slice %arg4[%add3A_16, %dma_wait3A_84] : memref<64x16384xf32, #tpu.memory_space<hbm>> -> memref<1x4096xf32, #tpu.memory_space<hbm>>
    %dma_wait3A_86 = tpu.memref_squeeze %dma_wait3A_85 : memref<1x4096xf32, #tpu.memory_space<hbm>> -> memref<4096xf32, #tpu.memory_space<hbm>>
    %dma_wait3A_87 = arith.constant 0 : i32
    %dma_wait3A_88 = tpu.memref_slice %arg7[%dma_wait3A_77, %dma_wait3A_87] : memref<2x4096xf32, #tpu.memory_space<vmem>> -> memref<1x4096xf32, #tpu.memory_space<vmem>>
    %dma_wait3A_89 = tpu.memref_squeeze %dma_wait3A_88 : memref<1x4096xf32, #tpu.memory_space<vmem>> -> memref<4096xf32, #tpu.memory_space<vmem>>
    tpu.wait_dma2 semaphore(%arg8 : memref<!tpu.dma_semaphore, #tpu.memory_space<semaphore_mem>>) src(%dma_wait3A_89 : memref<4096xf32, #tpu.memory_space<vmem>>) dst(%dma_wait3A_86 : memref<4096xf32, #tpu.memory_space<hbm>>)
    %parallel_loop3A_90 = arith.constant 0 : i32
    %parallel_loop3A_91 = arith.constant 256 : i32
    %parallel_loop3A_92 = arith.constant 1 : i32
    scf.for %parallel_loop3A_252 = %parallel_loop3A_90 to %parallel_loop3A_91 step %parallel_loop3A_92  : i32 {
      %parallel_loop3A_253 = arith.constant 16 : i32
      %parallel_loop3A_254 = arith.muli %parallel_loop3A_252, %parallel_loop3A_253 : i32
      %parallel_loop3A_255 = arith.constant 12288 : i32
      %parallel_loop3A_256 = arith.addi %parallel_loop3A_255, %parallel_loop3A_254 : i32
      %parallel_loop3A_257 = arith.index_cast %parallel_loop3A_256 : i32 to index
      %parallel_loop3A_258 = tpu.vector_load %arg5[%parallel_loop3A_257] {strides = array<i32>} : memref<16384xi32, #tpu.memory_space<vmem>>, vector<16xi32>,
      %parallel_loop3A_259 = tpu.vector_load_idx %arg6[%parallel_loop3A_258] : memref<100001xf32, #tpu.memory_space<vmem>>[vector<16xi32>], vector<16xf32>,
      %parallel_loop3A_260 = arith.constant 16 : i32
      %parallel_loop3A_261 = arith.muli %parallel_loop3A_252, %parallel_loop3A_260 : i32
      %parallel_loop3A_262 = arith.constant 1 : i32
      %parallel_loop3A_263 = arith.index_cast %parallel_loop3A_262 : i32 to index
      %parallel_loop3A_264 = arith.index_cast %parallel_loop3A_261 : i32 to index
      %parallel_loop3A_265 = tpu.vector_load %arg7[%parallel_loop3A_263, %parallel_loop3A_264] {strides = array<i32>} : memref<2x4096xf32, #tpu.memory_space<vmem>>, vector<16xf32>,
      tpu.vector_store %arg7[%parallel_loop3A_263, %parallel_loop3A_264], %parallel_loop3A_259 {strides = array<i32>} : memref<2x4096xf32, #tpu.memory_space<vmem>>, vector<16xf32>,
    } {sc.loop_unroll_factor = 16 : i64, sc.parallel_access}
    %dma_start3A_93 = arith.constant 1 : i32
    %dma_start3A_94 = arith.constant 0 : i32
    %dma_start3A_95 = tpu.memref_slice %arg7[%dma_start3A_93, %dma_start3A_94] : memref<2x4096xf32, #tpu.memory_space<vmem>> -> memref<1x4096xf32, #tpu.memory_space<vmem>>
    %dma_start3A_96 = tpu.memref_squeeze %dma_start3A_95 : memref<1x4096xf32, #tpu.memory_space<vmem>> -> memref<4096xf32, #tpu.memory_space<vmem>>
    %dma_start3A_97 = arith.constant 12288 : i32
    %dma_start3A_98 = tpu.memref_slice %arg4[%add3A_16, %dma_start3A_97] : memref<64x16384xf32, #tpu.memory_space<hbm>> -> memref<1x4096xf32, #tpu.memory_space<hbm>>
    %dma_start3A_99 = tpu.memref_squeeze %dma_start3A_98 : memref<1x4096xf32, #tpu.memory_space<hbm>> -> memref<4096xf32, #tpu.memory_space<hbm>>
    %dma_start3A_100 = arith.constant 12288 : i32
    %dma_start3A_101 = tpu.memref_slice %arg4[%add3A_16, %dma_start3A_100] : memref<64x16384xf32, #tpu.memory_space<hbm>> -> memref<1x4096xf32, #tpu.memory_space<hbm>>
    %dma_start3A_102 = tpu.memref_squeeze %dma_start3A_101 : memref<1x4096xf32, #tpu.memory_space<hbm>> -> memref<4096xf32, #tpu.memory_space<hbm>>
    %dma_start3A_103 = arith.constant 0 : i32
    %dma_start3A_104 = tpu.memref_slice %arg7[%dma_start3A_93, %dma_start3A_103] : memref<2x4096xf32, #tpu.memory_space<vmem>> -> memref<1x4096xf32, #tpu.memory_space<vmem>>
    %dma_start3A_105 = tpu.memref_squeeze %dma_start3A_104 : memref<1x4096xf32, #tpu.memory_space<vmem>> -> memref<4096xf32, #tpu.memory_space<vmem>>
    tpu.enqueue_dma source(%dma_start3A_105 : memref<4096xf32, #tpu.memory_space<vmem>>) target(%dma_start3A_102 : memref<4096xf32, #tpu.memory_space<hbm>>) target_semaphore(%arg8 : memref<!tpu.dma_semaphore, #tpu.memory_space<semaphore_mem>>)
    %mul3A_106 = arith.constant 2 : i32
    %mul3A_107 = arith.muli %add3A, %mul3A_106 : i32
    %add3A_108 = arith.constant 1 : i32
    %add3A_109 = arith.addi %mul3A_107, %add3A_108 : i32
    "tpu.region"() ({
      %run_scoped3A = tpu.sem_alloc : memref<!tpu.dma_semaphore, #tpu.memory_space<semaphore_mem>>
      %dma_start3A_252 = arith.constant 0 : i32
      %dma_start3A_253 = tpu.memref_slice %arg2[%add3A_109, %dma_start3A_252] : memref<64x100001xf32, #tpu.memory_space<hbm>> -> memref<1x100001xf32, #tpu.memory_space<hbm>>
      %dma_start3A_254 = tpu.memref_squeeze %dma_start3A_253 : memref<1x100001xf32, #tpu.memory_space<hbm>> -> memref<100001xf32, #tpu.memory_space<hbm>>
      %dma_start3A_255 = arith.constant 0 : i32
      %dma_start3A_256 = tpu.memref_slice %arg2[%add3A_109, %dma_start3A_255] : memref<64x100001xf32, #tpu.memory_space<hbm>> -> memref<1x100001xf32, #tpu.memory_space<hbm>>
      %dma_start3A_257 = tpu.memref_squeeze %dma_start3A_256 : memref<1x100001xf32, #tpu.memory_space<hbm>> -> memref<100001xf32, #tpu.memory_space<hbm>>
      tpu.enqueue_dma source(%dma_start3A_257 : memref<100001xf32, #tpu.memory_space<hbm>>) target(%arg6 : memref<100001xf32, #tpu.memory_space<vmem>>) target_semaphore(%run_scoped3A : memref<!tpu.dma_semaphore, #tpu.memory_space<semaphore_mem>>)
      %dma_wait3A_258 = arith.constant 0 : i32
      %dma_wait3A_259 = tpu.memref_slice %arg2[%add3A_109, %dma_wait3A_258] : memref<64x100001xf32, #tpu.memory_space<hbm>> -> memref<1x100001xf32, #tpu.memory_space<hbm>>
      %dma_wait3A_260 = tpu.memref_squeeze %dma_wait3A_259 : memref<1x100001xf32, #tpu.memory_space<hbm>> -> memref<100001xf32, #tpu.memory_space<hbm>>
      %dma_wait3A_261 = arith.constant 0 : i32
      %dma_wait3A_262 = tpu.memref_slice %arg2[%add3A_109, %dma_wait3A_261] : memref<64x100001xf32, #tpu.memory_space<hbm>> -> memref<1x100001xf32, #tpu.memory_space<hbm>>
      %dma_wait3A_263 = tpu.memref_squeeze %dma_wait3A_262 : memref<1x100001xf32, #tpu.memory_space<hbm>> -> memref<100001xf32, #tpu.memory_space<hbm>>
      tpu.wait_dma2 semaphore(%run_scoped3A : memref<!tpu.dma_semaphore, #tpu.memory_space<semaphore_mem>>) src(%dma_wait3A_263 : memref<100001xf32, #tpu.memory_space<hbm>>) dst(%arg6 : memref<100001xf32, #tpu.memory_space<vmem>>)
      tpu.yield
    }) : () -> ()
    %dma_wait3A_110 = arith.constant 0 : i32
    %dma_wait3A_111 = arith.constant 0 : i32
    %dma_wait3A_112 = tpu.memref_slice %arg7[%dma_wait3A_110, %dma_wait3A_111] : memref<2x4096xf32, #tpu.memory_space<vmem>> -> memref<1x4096xf32, #tpu.memory_space<vmem>>
    %dma_wait3A_113 = tpu.memref_squeeze %dma_wait3A_112 : memref<1x4096xf32, #tpu.memory_space<vmem>> -> memref<4096xf32, #tpu.memory_space<vmem>>
    %dma_wait3A_114 = arith.constant 8192 : i32
    %dma_wait3A_115 = tpu.memref_slice %arg4[%add3A_16, %dma_wait3A_114] : memref<64x16384xf32, #tpu.memory_space<hbm>> -> memref<1x4096xf32, #tpu.memory_space<hbm>>
    %dma_wait3A_116 = tpu.memref_squeeze %dma_wait3A_115 : memref<1x4096xf32, #tpu.memory_space<hbm>> -> memref<4096xf32, #tpu.memory_space<hbm>>
    %dma_wait3A_117 = arith.constant 8192 : i32
    %dma_wait3A_118 = tpu.memref_slice %arg4[%add3A_16, %dma_wait3A_117] : memref<64x16384xf32, #tpu.memory_space<hbm>> -> memref<1x4096xf32, #tpu.memory_space<hbm>>
    %dma_wait3A_119 = tpu.memref_squeeze %dma_wait3A_118 : memref<1x4096xf32, #tpu.memory_space<hbm>> -> memref<4096xf32, #tpu.memory_space<hbm>>
    %dma_wait3A_120 = arith.constant 0 : i32
    %dma_wait3A_121 = tpu.memref_slice %arg7[%dma_wait3A_110, %dma_wait3A_120] : memref<2x4096xf32, #tpu.memory_space<vmem>> -> memref<1x4096xf32, #tpu.memory_space<vmem>>
    %dma_wait3A_122 = tpu.memref_squeeze %dma_wait3A_121 : memref<1x4096xf32, #tpu.memory_space<vmem>> -> memref<4096xf32, #tpu.memory_space<vmem>>
    tpu.wait_dma2 semaphore(%arg8 : memref<!tpu.dma_semaphore, #tpu.memory_space<semaphore_mem>>) src(%dma_wait3A_122 : memref<4096xf32, #tpu.memory_space<vmem>>) dst(%dma_wait3A_119 : memref<4096xf32, #tpu.memory_space<hbm>>)
    %parallel_loop3A_123 = arith.constant 0 : i32
    %parallel_loop3A_124 = arith.constant 256 : i32
    %parallel_loop3A_125 = arith.constant 1 : i32
    scf.for %parallel_loop3A_252 = %parallel_loop3A_123 to %parallel_loop3A_124 step %parallel_loop3A_125  : i32 {
      %parallel_loop3A_253 = arith.constant 16 : i32
      %parallel_loop3A_254 = arith.muli %parallel_loop3A_252, %parallel_loop3A_253 : i32
      %parallel_loop3A_255 = arith.constant 0 : i32
      %parallel_loop3A_256 = arith.addi %parallel_loop3A_255, %parallel_loop3A_254 : i32
      %parallel_loop3A_257 = arith.index_cast %parallel_loop3A_256 : i32 to index
      %parallel_loop3A_258 = tpu.vector_load %arg5[%parallel_loop3A_257] {strides = array<i32>} : memref<16384xi32, #tpu.memory_space<vmem>>, vector<16xi32>,
      %parallel_loop3A_259 = tpu.vector_load_idx %arg6[%parallel_loop3A_258] : memref<100001xf32, #tpu.memory_space<vmem>>[vector<16xi32>], vector<16xf32>,
      %parallel_loop3A_260 = arith.constant 16 : i32
      %parallel_loop3A_261 = arith.muli %parallel_loop3A_252, %parallel_loop3A_260 : i32
      %parallel_loop3A_262 = arith.constant 0 : i32
      %parallel_loop3A_263 = arith.index_cast %parallel_loop3A_262 : i32 to index
      %parallel_loop3A_264 = arith.index_cast %parallel_loop3A_261 : i32 to index
      %parallel_loop3A_265 = tpu.vector_load %arg7[%parallel_loop3A_263, %parallel_loop3A_264] {strides = array<i32>} : memref<2x4096xf32, #tpu.memory_space<vmem>>, vector<16xf32>,
      tpu.vector_store %arg7[%parallel_loop3A_263, %parallel_loop3A_264], %parallel_loop3A_259 {strides = array<i32>} : memref<2x4096xf32, #tpu.memory_space<vmem>>, vector<16xf32>,
    } {sc.loop_unroll_factor = 16 : i64, sc.parallel_access}
    %dma_start3A_126 = arith.constant 0 : i32
    %dma_start3A_127 = arith.constant 0 : i32
    %dma_start3A_128 = tpu.memref_slice %arg7[%dma_start3A_126, %dma_start3A_127] : memref<2x4096xf32, #tpu.memory_space<vmem>> -> memref<1x4096xf32, #tpu.memory_space<vmem>>
    %dma_start3A_129 = tpu.memref_squeeze %dma_start3A_128 : memref<1x4096xf32, #tpu.memory_space<vmem>> -> memref<4096xf32, #tpu.memory_space<vmem>>
    %dma_start3A_130 = arith.constant 0 : i32
    %dma_start3A_131 = tpu.memref_slice %arg4[%add3A_109, %dma_start3A_130] : memref<64x16384xf32, #tpu.memory_space<hbm>> -> memref<1x4096xf32, #tpu.memory_space<hbm>>
    %dma_start3A_132 = tpu.memref_squeeze %dma_start3A_131 : memref<1x4096xf32, #tpu.memory_space<hbm>> -> memref<4096xf32, #tpu.memory_space<hbm>>
    %dma_start3A_133 = arith.constant 0 : i32
    %dma_start3A_134 = tpu.memref_slice %arg4[%add3A_109, %dma_start3A_133] : memref<64x16384xf32, #tpu.memory_space<hbm>> -> memref<1x4096xf32, #tpu.memory_space<hbm>>
    %dma_start3A_135 = tpu.memref_squeeze %dma_start3A_134 : memref<1x4096xf32, #tpu.memory_space<hbm>> -> memref<4096xf32, #tpu.memory_space<hbm>>
    %dma_start3A_136 = arith.constant 0 : i32
    %dma_start3A_137 = tpu.memref_slice %arg7[%dma_start3A_126, %dma_start3A_136] : memref<2x4096xf32, #tpu.memory_space<vmem>> -> memref<1x4096xf32, #tpu.memory_space<vmem>>
    %dma_start3A_138 = tpu.memref_squeeze %dma_start3A_137 : memref<1x4096xf32, #tpu.memory_space<vmem>> -> memref<4096xf32, #tpu.memory_space<vmem>>
    tpu.enqueue_dma source(%dma_start3A_138 : memref<4096xf32, #tpu.memory_space<vmem>>) target(%dma_start3A_135 : memref<4096xf32, #tpu.memory_space<hbm>>) target_semaphore(%arg8 : memref<!tpu.dma_semaphore, #tpu.memory_space<semaphore_mem>>)
    %dma_wait3A_139 = arith.constant 1 : i32
    %dma_wait3A_140 = arith.constant 0 : i32
    %dma_wait3A_141 = tpu.memref_slice %arg7[%dma_wait3A_139, %dma_wait3A_140] : memref<2x4096xf32, #tpu.memory_space<vmem>> -> memref<1x4096xf32, #tpu.memory_space<vmem>>
    %dma_wait3A_142 = tpu.memref_squeeze %dma_wait3A_141 : memref<1x4096xf32, #tpu.memory_space<vmem>> -> memref<4096xf32, #tpu.memory_space<vmem>>
    %dma_wait3A_143 = arith.constant 12288 : i32
    %dma_wait3A_144 = tpu.memref_slice %arg4[%add3A_16, %dma_wait3A_143] : memref<64x16384xf32, #tpu.memory_space<hbm>> -> memref<1x4096xf32, #tpu.memory_space<hbm>>
    %dma_wait3A_145 = tpu.memref_squeeze %dma_wait3A_144 : memref<1x4096xf32, #tpu.memory_space<hbm>> -> memref<4096xf32, #tpu.memory_space<hbm>>
    %dma_wait3A_146 = arith.constant 12288 : i32
    %dma_wait3A_147 = tpu.memref_slice %arg4[%add3A_16, %dma_wait3A_146] : memref<64x16384xf32, #tpu.memory_space<hbm>> -> memref<1x4096xf32, #tpu.memory_space<hbm>>
    %dma_wait3A_148 = tpu.memref_squeeze %dma_wait3A_147 : memref<1x4096xf32, #tpu.memory_space<hbm>> -> memref<4096xf32, #tpu.memory_space<hbm>>
    %dma_wait3A_149 = arith.constant 0 : i32
    %dma_wait3A_150 = tpu.memref_slice %arg7[%dma_wait3A_139, %dma_wait3A_149] : memref<2x4096xf32, #tpu.memory_space<vmem>> -> memref<1x4096xf32, #tpu.memory_space<vmem>>
    %dma_wait3A_151 = tpu.memref_squeeze %dma_wait3A_150 : memref<1x4096xf32, #tpu.memory_space<vmem>> -> memref<4096xf32, #tpu.memory_space<vmem>>
    tpu.wait_dma2 semaphore(%arg8 : memref<!tpu.dma_semaphore, #tpu.memory_space<semaphore_mem>>) src(%dma_wait3A_151 : memref<4096xf32, #tpu.memory_space<vmem>>) dst(%dma_wait3A_148 : memref<4096xf32, #tpu.memory_space<hbm>>)
    %parallel_loop3A_152 = arith.constant 0 : i32
    %parallel_loop3A_153 = arith.constant 256 : i32
    %parallel_loop3A_154 = arith.constant 1 : i32
    scf.for %parallel_loop3A_252 = %parallel_loop3A_152 to %parallel_loop3A_153 step %parallel_loop3A_154  : i32 {
      %parallel_loop3A_253 = arith.constant 16 : i32
      %parallel_loop3A_254 = arith.muli %parallel_loop3A_252, %parallel_loop3A_253 : i32
      %parallel_loop3A_255 = arith.constant 4096 : i32
      %parallel_loop3A_256 = arith.addi %parallel_loop3A_255, %parallel_loop3A_254 : i32
      %parallel_loop3A_257 = arith.index_cast %parallel_loop3A_256 : i32 to index
      %parallel_loop3A_258 = tpu.vector_load %arg5[%parallel_loop3A_257] {strides = array<i32>} : memref<16384xi32, #tpu.memory_space<vmem>>, vector<16xi32>,
      %parallel_loop3A_259 = tpu.vector_load_idx %arg6[%parallel_loop3A_258] : memref<100001xf32, #tpu.memory_space<vmem>>[vector<16xi32>], vector<16xf32>,
      %parallel_loop3A_260 = arith.constant 16 : i32
      %parallel_loop3A_261 = arith.muli %parallel_loop3A_252, %parallel_loop3A_260 : i32
      %parallel_loop3A_262 = arith.constant 1 : i32
      %parallel_loop3A_263 = arith.index_cast %parallel_loop3A_262 : i32 to index
      %parallel_loop3A_264 = arith.index_cast %parallel_loop3A_261 : i32 to index
      %parallel_loop3A_265 = tpu.vector_load %arg7[%parallel_loop3A_263, %parallel_loop3A_264] {strides = array<i32>} : memref<2x4096xf32, #tpu.memory_space<vmem>>, vector<16xf32>,
      tpu.vector_store %arg7[%parallel_loop3A_263, %parallel_loop3A_264], %parallel_loop3A_259 {strides = array<i32>} : memref<2x4096xf32, #tpu.memory_space<vmem>>, vector<16xf32>,
    } {sc.loop_unroll_factor = 16 : i64, sc.parallel_access}
    %dma_start3A_155 = arith.constant 1 : i32
    %dma_start3A_156 = arith.constant 0 : i32
    %dma_start3A_157 = tpu.memref_slice %arg7[%dma_start3A_155, %dma_start3A_156] : memref<2x4096xf32, #tpu.memory_space<vmem>> -> memref<1x4096xf32, #tpu.memory_space<vmem>>
    %dma_start3A_158 = tpu.memref_squeeze %dma_start3A_157 : memref<1x4096xf32, #tpu.memory_space<vmem>> -> memref<4096xf32, #tpu.memory_space<vmem>>
    %dma_start3A_159 = arith.constant 4096 : i32
    %dma_start3A_160 = tpu.memref_slice %arg4[%add3A_109, %dma_start3A_159] : memref<64x16384xf32, #tpu.memory_space<hbm>> -> memref<1x4096xf32, #tpu.memory_space<hbm>>
    %dma_start3A_161 = tpu.memref_squeeze %dma_start3A_160 : memref<1x4096xf32, #tpu.memory_space<hbm>> -> memref<4096xf32, #tpu.memory_space<hbm>>
    %dma_start3A_162 = arith.constant 4096 : i32
    %dma_start3A_163 = tpu.memref_slice %arg4[%add3A_109, %dma_start3A_162] : memref<64x16384xf32, #tpu.memory_space<hbm>> -> memref<1x4096xf32, #tpu.memory_space<hbm>>
    %dma_start3A_164 = tpu.memref_squeeze %dma_start3A_163 : memref<1x4096xf32, #tpu.memory_space<hbm>> -> memref<4096xf32, #tpu.memory_space<hbm>>
    %dma_start3A_165 = arith.constant 0 : i32
    %dma_start3A_166 = tpu.memref_slice %arg7[%dma_start3A_155, %dma_start3A_165] : memref<2x4096xf32, #tpu.memory_space<vmem>> -> memref<1x4096xf32, #tpu.memory_space<vmem>>
    %dma_start3A_167 = tpu.memref_squeeze %dma_start3A_166 : memref<1x4096xf32, #tpu.memory_space<vmem>> -> memref<4096xf32, #tpu.memory_space<vmem>>
    tpu.enqueue_dma source(%dma_start3A_167 : memref<4096xf32, #tpu.memory_space<vmem>>) target(%dma_start3A_164 : memref<4096xf32, #tpu.memory_space<hbm>>) target_semaphore(%arg8 : memref<!tpu.dma_semaphore, #tpu.memory_space<semaphore_mem>>)
    %dma_wait3A_168 = arith.constant 0 : i32
    %dma_wait3A_169 = arith.constant 0 : i32
    %dma_wait3A_170 = tpu.memref_slice %arg7[%dma_wait3A_168, %dma_wait3A_169] : memref<2x4096xf32, #tpu.memory_space<vmem>> -> memref<1x4096xf32, #tpu.memory_space<vmem>>
    %dma_wait3A_171 = tpu.memref_squeeze %dma_wait3A_170 : memref<1x4096xf32, #tpu.memory_space<vmem>> -> memref<4096xf32, #tpu.memory_space<vmem>>
    %dma_wait3A_172 = arith.constant 0 : i32
    %dma_wait3A_173 = tpu.memref_slice %arg4[%add3A_109, %dma_wait3A_172] : memref<64x16384xf32, #tpu.memory_space<hbm>> -> memref<1x4096xf32, #tpu.memory_space<hbm>>
    %dma_wait3A_174 = tpu.memref_squeeze %dma_wait3A_173 : memref<1x4096xf32, #tpu.memory_space<hbm>> -> memref<4096xf32, #tpu.memory_space<hbm>>
    %dma_wait3A_175 = arith.constant 0 : i32
    %dma_wait3A_176 = tpu.memref_slice %arg4[%add3A_109, %dma_wait3A_175] : memref<64x16384xf32, #tpu.memory_space<hbm>> -> memref<1x4096xf32, #tpu.memory_space<hbm>>
    %dma_wait3A_177 = tpu.memref_squeeze %dma_wait3A_176 : memref<1x4096xf32, #tpu.memory_space<hbm>> -> memref<4096xf32, #tpu.memory_space<hbm>>
    %dma_wait3A_178 = arith.constant 0 : i32
    %dma_wait3A_179 = tpu.memref_slice %arg7[%dma_wait3A_168, %dma_wait3A_178] : memref<2x4096xf32, #tpu.memory_space<vmem>> -> memref<1x4096xf32, #tpu.memory_space<vmem>>
    %dma_wait3A_180 = tpu.memref_squeeze %dma_wait3A_179 : memref<1x4096xf32, #tpu.memory_space<vmem>> -> memref<4096xf32, #tpu.memory_space<vmem>>
    tpu.wait_dma2 semaphore(%arg8 : memref<!tpu.dma_semaphore, #tpu.memory_space<semaphore_mem>>) src(%dma_wait3A_180 : memref<4096xf32, #tpu.memory_space<vmem>>) dst(%dma_wait3A_177 : memref<4096xf32, #tpu.memory_space<hbm>>)
    %parallel_loop3A_181 = arith.constant 0 : i32
    %parallel_loop3A_182 = arith.constant 256 : i32
    %parallel_loop3A_183 = arith.constant 1 : i32
    scf.for %parallel_loop3A_252 = %parallel_loop3A_181 to %parallel_loop3A_182 step %parallel_loop3A_183  : i32 {
      %parallel_loop3A_253 = arith.constant 16 : i32
      %parallel_loop3A_254 = arith.muli %parallel_loop3A_252, %parallel_loop3A_253 : i32
      %parallel_loop3A_255 = arith.constant 8192 : i32
      %parallel_loop3A_256 = arith.addi %parallel_loop3A_255, %parallel_loop3A_254 : i32
      %parallel_loop3A_257 = arith.index_cast %parallel_loop3A_256 : i32 to index
      %parallel_loop3A_258 = tpu.vector_load %arg5[%parallel_loop3A_257] {strides = array<i32>} : memref<16384xi32, #tpu.memory_space<vmem>>, vector<16xi32>,
      %parallel_loop3A_259 = tpu.vector_load_idx %arg6[%parallel_loop3A_258] : memref<100001xf32, #tpu.memory_space<vmem>>[vector<16xi32>], vector<16xf32>,
      %parallel_loop3A_260 = arith.constant 16 : i32
      %parallel_loop3A_261 = arith.muli %parallel_loop3A_252, %parallel_loop3A_260 : i32
      %parallel_loop3A_262 = arith.constant 0 : i32
      %parallel_loop3A_263 = arith.index_cast %parallel_loop3A_262 : i32 to index
      %parallel_loop3A_264 = arith.index_cast %parallel_loop3A_261 : i32 to index
      %parallel_loop3A_265 = tpu.vector_load %arg7[%parallel_loop3A_263, %parallel_loop3A_264] {strides = array<i32>} : memref<2x4096xf32, #tpu.memory_space<vmem>>, vector<16xf32>,
      tpu.vector_store %arg7[%parallel_loop3A_263, %parallel_loop3A_264], %parallel_loop3A_259 {strides = array<i32>} : memref<2x4096xf32, #tpu.memory_space<vmem>>, vector<16xf32>,
    } {sc.loop_unroll_factor = 16 : i64, sc.parallel_access}
    %dma_start3A_184 = arith.constant 0 : i32
    %dma_start3A_185 = arith.constant 0 : i32
    %dma_start3A_186 = tpu.memref_slice %arg7[%dma_start3A_184, %dma_start3A_185] : memref<2x4096xf32, #tpu.memory_space<vmem>> -> memref<1x4096xf32, #tpu.memory_space<vmem>>
    %dma_start3A_187 = tpu.memref_squeeze %dma_start3A_186 : memref<1x4096xf32, #tpu.memory_space<vmem>> -> memref<4096xf32, #tpu.memory_space<vmem>>
    %dma_start3A_188 = arith.constant 8192 : i32
    %dma_start3A_189 = tpu.memref_slice %arg4[%add3A_109, %dma_start3A_188] : memref<64x16384xf32, #tpu.memory_space<hbm>> -> memref<1x4096xf32, #tpu.memory_space<hbm>>
    %dma_start3A_190 = tpu.memref_squeeze %dma_start3A_189 : memref<1x4096xf32, #tpu.memory_space<hbm>> -> memref<4096xf32, #tpu.memory_space<hbm>>
    %dma_start3A_191 = arith.constant 8192 : i32
    %dma_start3A_192 = tpu.memref_slice %arg4[%add3A_109, %dma_start3A_191] : memref<64x16384xf32, #tpu.memory_space<hbm>> -> memref<1x4096xf32, #tpu.memory_space<hbm>>
    %dma_start3A_193 = tpu.memref_squeeze %dma_start3A_192 : memref<1x4096xf32, #tpu.memory_space<hbm>> -> memref<4096xf32, #tpu.memory_space<hbm>>
    %dma_start3A_194 = arith.constant 0 : i32
    %dma_start3A_195 = tpu.memref_slice %arg7[%dma_start3A_184, %dma_start3A_194] : memref<2x4096xf32, #tpu.memory_space<vmem>> -> memref<1x4096xf32, #tpu.memory_space<vmem>>
    %dma_start3A_196 = tpu.memref_squeeze %dma_start3A_195 : memref<1x4096xf32, #tpu.memory_space<vmem>> -> memref<4096xf32, #tpu.memory_space<vmem>>
    tpu.enqueue_dma source(%dma_start3A_196 : memref<4096xf32, #tpu.memory_space<vmem>>) target(%dma_start3A_193 : memref<4096xf32, #tpu.memory_space<hbm>>) target_semaphore(%arg8 : memref<!tpu.dma_semaphore, #tpu.memory_space<semaphore_mem>>)
    %dma_wait3A_197 = arith.constant 1 : i32
    %dma_wait3A_198 = arith.constant 0 : i32
    %dma_wait3A_199 = tpu.memref_slice %arg7[%dma_wait3A_197, %dma_wait3A_198] : memref<2x4096xf32, #tpu.memory_space<vmem>> -> memref<1x4096xf32, #tpu.memory_space<vmem>>
    %dma_wait3A_200 = tpu.memref_squeeze %dma_wait3A_199 : memref<1x4096xf32, #tpu.memory_space<vmem>> -> memref<4096xf32, #tpu.memory_space<vmem>>
    %dma_wait3A_201 = arith.constant 4096 : i32
    %dma_wait3A_202 = tpu.memref_slice %arg4[%add3A_109, %dma_wait3A_201] : memref<64x16384xf32, #tpu.memory_space<hbm>> -> memref<1x4096xf32, #tpu.memory_space<hbm>>
    %dma_wait3A_203 = tpu.memref_squeeze %dma_wait3A_202 : memref<1x4096xf32, #tpu.memory_space<hbm>> -> memref<4096xf32, #tpu.memory_space<hbm>>
    %dma_wait3A_204 = arith.constant 4096 : i32
    %dma_wait3A_205 = tpu.memref_slice %arg4[%add3A_109, %dma_wait3A_204] : memref<64x16384xf32, #tpu.memory_space<hbm>> -> memref<1x4096xf32, #tpu.memory_space<hbm>>
    %dma_wait3A_206 = tpu.memref_squeeze %dma_wait3A_205 : memref<1x4096xf32, #tpu.memory_space<hbm>> -> memref<4096xf32, #tpu.memory_space<hbm>>
    %dma_wait3A_207 = arith.constant 0 : i32
    %dma_wait3A_208 = tpu.memref_slice %arg7[%dma_wait3A_197, %dma_wait3A_207] : memref<2x4096xf32, #tpu.memory_space<vmem>> -> memref<1x4096xf32, #tpu.memory_space<vmem>>
    %dma_wait3A_209 = tpu.memref_squeeze %dma_wait3A_208 : memref<1x4096xf32, #tpu.memory_space<vmem>> -> memref<4096xf32, #tpu.memory_space<vmem>>
    tpu.wait_dma2 semaphore(%arg8 : memref<!tpu.dma_semaphore, #tpu.memory_space<semaphore_mem>>) src(%dma_wait3A_209 : memref<4096xf32, #tpu.memory_space<vmem>>) dst(%dma_wait3A_206 : memref<4096xf32, #tpu.memory_space<hbm>>)
    %parallel_loop3A_210 = arith.constant 0 : i32
    %parallel_loop3A_211 = arith.constant 256 : i32
    %parallel_loop3A_212 = arith.constant 1 : i32
    scf.for %parallel_loop3A_252 = %parallel_loop3A_210 to %parallel_loop3A_211 step %parallel_loop3A_212  : i32 {
      %parallel_loop3A_253 = arith.constant 16 : i32
      %parallel_loop3A_254 = arith.muli %parallel_loop3A_252, %parallel_loop3A_253 : i32
      %parallel_loop3A_255 = arith.constant 12288 : i32
      %parallel_loop3A_256 = arith.addi %parallel_loop3A_255, %parallel_loop3A_254 : i32
      %parallel_loop3A_257 = arith.index_cast %parallel_loop3A_256 : i32 to index
      %parallel_loop3A_258 = tpu.vector_load %arg5[%parallel_loop3A_257] {strides = array<i32>} : memref<16384xi32, #tpu.memory_space<vmem>>, vector<16xi32>,
      %parallel_loop3A_259 = tpu.vector_load_idx %arg6[%parallel_loop3A_258] : memref<100001xf32, #tpu.memory_space<vmem>>[vector<16xi32>], vector<16xf32>,
      %parallel_loop3A_260 = arith.constant 16 : i32
      %parallel_loop3A_261 = arith.muli %parallel_loop3A_252, %parallel_loop3A_260 : i32
      %parallel_loop3A_262 = arith.constant 1 : i32
      %parallel_loop3A_263 = arith.index_cast %parallel_loop3A_262 : i32 to index
      %parallel_loop3A_264 = arith.index_cast %parallel_loop3A_261 : i32 to index
      %parallel_loop3A_265 = tpu.vector_load %arg7[%parallel_loop3A_263, %parallel_loop3A_264] {strides = array<i32>} : memref<2x4096xf32, #tpu.memory_space<vmem>>, vector<16xf32>,
      tpu.vector_store %arg7[%parallel_loop3A_263, %parallel_loop3A_264], %parallel_loop3A_259 {strides = array<i32>} : memref<2x4096xf32, #tpu.memory_space<vmem>>, vector<16xf32>,
    } {sc.loop_unroll_factor = 16 : i64, sc.parallel_access}
    %dma_start3A_213 = arith.constant 1 : i32
    %dma_start3A_214 = arith.constant 0 : i32
    %dma_start3A_215 = tpu.memref_slice %arg7[%dma_start3A_213, %dma_start3A_214] : memref<2x4096xf32, #tpu.memory_space<vmem>> -> memref<1x4096xf32, #tpu.memory_space<vmem>>
    %dma_start3A_216 = tpu.memref_squeeze %dma_start3A_215 : memref<1x4096xf32, #tpu.memory_space<vmem>> -> memref<4096xf32, #tpu.memory_space<vmem>>
    %dma_start3A_217 = arith.constant 12288 : i32
    %dma_start3A_218 = tpu.memref_slice %arg4[%add3A_109, %dma_start3A_217] : memref<64x16384xf32, #tpu.memory_space<hbm>> -> memref<1x4096xf32, #tpu.memory_space<hbm>>
    %dma_start3A_219 = tpu.memref_squeeze %dma_start3A_218 : memref<1x4096xf32, #tpu.memory_space<hbm>> -> memref<4096xf32, #tpu.memory_space<hbm>>
    %dma_start3A_220 = arith.constant 12288 : i32
    %dma_start3A_221 = tpu.memref_slice %arg4[%add3A_109, %dma_start3A_220] : memref<64x16384xf32, #tpu.memory_space<hbm>> -> memref<1x4096xf32, #tpu.memory_space<hbm>>
    %dma_start3A_222 = tpu.memref_squeeze %dma_start3A_221 : memref<1x4096xf32, #tpu.memory_space<hbm>> -> memref<4096xf32, #tpu.memory_space<hbm>>
    %dma_start3A_223 = arith.constant 0 : i32
    %dma_start3A_224 = tpu.memref_slice %arg7[%dma_start3A_213, %dma_start3A_223] : memref<2x4096xf32, #tpu.memory_space<vmem>> -> memref<1x4096xf32, #tpu.memory_space<vmem>>
    %dma_start3A_225 = tpu.memref_squeeze %dma_start3A_224 : memref<1x4096xf32, #tpu.memory_space<vmem>> -> memref<4096xf32, #tpu.memory_space<vmem>>
    tpu.enqueue_dma source(%dma_start3A_225 : memref<4096xf32, #tpu.memory_space<vmem>>) target(%dma_start3A_222 : memref<4096xf32, #tpu.memory_space<hbm>>) target_semaphore(%arg8 : memref<!tpu.dma_semaphore, #tpu.memory_space<semaphore_mem>>)
    %dma_wait3A_226 = arith.constant 0 : i32
    %dma_wait3A_227 = arith.constant 0 : i32
    %dma_wait3A_228 = tpu.memref_slice %arg7[%dma_wait3A_226, %dma_wait3A_227] : memref<2x4096xf32, #tpu.memory_space<vmem>> -> memref<1x4096xf32, #tpu.memory_space<vmem>>
    %dma_wait3A_229 = tpu.memref_squeeze %dma_wait3A_228 : memref<1x4096xf32, #tpu.memory_space<vmem>> -> memref<4096xf32, #tpu.memory_space<vmem>>
    %dma_wait3A_230 = arith.constant 8192 : i32
    %dma_wait3A_231 = tpu.memref_slice %arg4[%add3A_109, %dma_wait3A_230] : memref<64x16384xf32, #tpu.memory_space<hbm>> -> memref<1x4096xf32, #tpu.memory_space<hbm>>
    %dma_wait3A_232 = tpu.memref_squeeze %dma_wait3A_231 : memref<1x4096xf32, #tpu.memory_space<hbm>> -> memref<4096xf32, #tpu.memory_space<hbm>>
    %dma_wait3A_233 = arith.constant 8192 : i32
    %dma_wait3A_234 = tpu.memref_slice %arg4[%add3A_109, %dma_wait3A_233] : memref<64x16384xf32, #tpu.memory_space<hbm>> -> memref<1x4096xf32, #tpu.memory_space<hbm>>
    %dma_wait3A_235 = tpu.memref_squeeze %dma_wait3A_234 : memref<1x4096xf32, #tpu.memory_space<hbm>> -> memref<4096xf32, #tpu.memory_space<hbm>>
    %dma_wait3A_236 = arith.constant 0 : i32
    %dma_wait3A_237 = tpu.memref_slice %arg7[%dma_wait3A_226, %dma_wait3A_236] : memref<2x4096xf32, #tpu.memory_space<vmem>> -> memref<1x4096xf32, #tpu.memory_space<vmem>>
    %dma_wait3A_238 = tpu.memref_squeeze %dma_wait3A_237 : memref<1x4096xf32, #tpu.memory_space<vmem>> -> memref<4096xf32, #tpu.memory_space<vmem>>
    tpu.wait_dma2 semaphore(%arg8 : memref<!tpu.dma_semaphore, #tpu.memory_space<semaphore_mem>>) src(%dma_wait3A_238 : memref<4096xf32, #tpu.memory_space<vmem>>) dst(%dma_wait3A_235 : memref<4096xf32, #tpu.memory_space<hbm>>)
    %dma_wait3A_239 = arith.constant 1 : i32
    %dma_wait3A_240 = arith.constant 0 : i32
    %dma_wait3A_241 = tpu.memref_slice %arg7[%dma_wait3A_239, %dma_wait3A_240] : memref<2x4096xf32, #tpu.memory_space<vmem>> -> memref<1x4096xf32, #tpu.memory_space<vmem>>
    %dma_wait3A_242 = tpu.memref_squeeze %dma_wait3A_241 : memref<1x4096xf32, #tpu.memory_space<vmem>> -> memref<4096xf32, #tpu.memory_space<vmem>>
    %dma_wait3A_243 = arith.constant 12288 : i32
    %dma_wait3A_244 = tpu.memref_slice %arg4[%add3A_109, %dma_wait3A_243] : memref<64x16384xf32, #tpu.memory_space<hbm>> -> memref<1x4096xf32, #tpu.memory_space<hbm>>
    %dma_wait3A_245 = tpu.memref_squeeze %dma_wait3A_244 : memref<1x4096xf32, #tpu.memory_space<hbm>> -> memref<4096xf32, #tpu.memory_space<hbm>>
    %dma_wait3A_246 = arith.constant 12288 : i32
    %dma_wait3A_247 = tpu.memref_slice %arg4[%add3A_109, %dma_wait3A_246] : memref<64x16384xf32, #tpu.memory_space<hbm>> -> memref<1x4096xf32, #tpu.memory_space<hbm>>
    %dma_wait3A_248 = tpu.memref_squeeze %dma_wait3A_247 : memref<1x4096xf32, #tpu.memory_space<hbm>> -> memref<4096xf32, #tpu.memory_space<hbm>>
    %dma_wait3A_249 = arith.constant 0 : i32
    %dma_wait3A_250 = tpu.memref_slice %arg7[%dma_wait3A_239, %dma_wait3A_249] : memref<2x4096xf32, #tpu.memory_space<vmem>> -> memref<1x4096xf32, #tpu.memory_space<vmem>>
    %dma_wait3A_251 = tpu.memref_squeeze %dma_wait3A_250 : memref<1x4096xf32, #tpu.memory_space<vmem>> -> memref<4096xf32, #tpu.memory_space<vmem>>
    tpu.wait_dma2 semaphore(%arg8 : memref<!tpu.dma_semaphore, #tpu.memory_space<semaphore_mem>>) src(%dma_wait3A_251 : memref<4096xf32, #tpu.memory_space<vmem>>) dst(%dma_wait3A_248 : memref<4096xf32, #tpu.memory_space<hbm>>)
    return
  }
}

module attributes {stable_mosaic.version = 14 : i64} {
  func.func @_mlp_t_body(%arg0: i32, %arg1: memref<64x8192xf32, #tpu.memory_space<vmem>>, %arg2: memref<64x128xf32, #tpu.memory_space<vmem>>, %arg3: memref<128x1xf32, #tpu.memory_space<vmem>>, %arg4: memref<128x64xf32, #tpu.memory_space<vmem>>, %arg5: memref<64x1xf32, #tpu.memory_space<vmem>>, %arg6: memref<64x8192xf32, #tpu.memory_space<vmem>>) attributes {dimension_semantics = [#tpu.dimension_semantics<arbitrary>], iteration_bounds = array<i64: 2>, scalar_prefetch = 0 : i64, scratch_operands = 0 : i64, tpu.core_type = #tpu.core_type<tc>, window_params = [{transform_indices = @transform_0, window_bounds = array<i64: 64, 8192>}, {pipeline_mode = #tpu.pipeline_mode<synchronous>, transform_indices = @transform_1, window_bounds = array<i64: 64, 128>}, {pipeline_mode = #tpu.pipeline_mode<synchronous>, transform_indices = @transform_2, window_bounds = array<i64: 128, 1>}, {pipeline_mode = #tpu.pipeline_mode<synchronous>, transform_indices = @transform_3, window_bounds = array<i64: 128, 64>}, {pipeline_mode = #tpu.pipeline_mode<synchronous>, transform_indices = @transform_4, window_bounds = array<i64: 64, 1>}, {transform_indices = @transform_5, window_bounds = array<i64: 64, 8192>}]} {
    %get3A = arith.constant 0 : index
    %get3A_0 = arith.constant 0 : index
    %get3A_1 = vector.load %arg1[%get3A, %get3A_0] : memref<64x8192xf32, #tpu.memory_space<vmem>>, vector<64x8192xf32>
    %get3A_2 = arith.constant 0 : index
    %get3A_3 = arith.constant 0 : index
    %get3A_4 = vector.load %arg2[%get3A_2, %get3A_3] : memref<64x128xf32, #tpu.memory_space<vmem>>, vector<64x128xf32>
    %dot_general3A = arith.constant dense<0.000000e+00> : vector<128x8192xf32>
    %dot_general3A_5 = tpu.matmul %get3A_4, %get3A_1, %dot_general3A {dimension_numbers = #tpu.dot_dimension_numbers<[0], [0], [1], [1], [0, 1, 1, 1], [], []>, transpose_lhs_hint = false} : vector<64x128xf32>, vector<64x8192xf32>, vector<128x8192xf32> -> vector<128x8192xf32>
    %get3A_6 = arith.constant 0 : index
    %get3A_7 = arith.constant 0 : index
    %get3A_8 = vector.load %arg3[%get3A_6, %get3A_7] : memref<128x1xf32, #tpu.memory_space<vmem>>, vector<128x1xf32>
    %add3A = vector.broadcast %get3A_8 : vector<128x1xf32> to vector<128x8192xf32>
    %add3A_9 = arith.addf %dot_general3A_5, %add3A : vector<128x8192xf32>
    %max3A = arith.constant 0.000000e+00 : f32
    %max3A_10 = vector.broadcast %max3A : f32 to vector<128x8192xf32>
    %max3A_11 = arith.maximumf %add3A_9, %max3A_10 : vector<128x8192xf32>
    %get3A_12 = arith.constant 0 : index
    %get3A_13 = arith.constant 0 : index
    %get3A_14 = vector.load %arg4[%get3A_12, %get3A_13] : memref<128x64xf32, #tpu.memory_space<vmem>>, vector<128x64xf32>
    %dot_general3A_15 = arith.constant dense<0.000000e+00> : vector<64x8192xf32>
    %dot_general3A_16 = tpu.matmul %get3A_14, %max3A_11, %dot_general3A_15 {dimension_numbers = #tpu.dot_dimension_numbers<[0], [0], [1], [1], [0, 1, 1, 1], [], []>, transpose_lhs_hint = false} : vector<128x64xf32>, vector<128x8192xf32>, vector<64x8192xf32> -> vector<64x8192xf32>
    %get3A_17 = arith.constant 0 : index
    %get3A_18 = arith.constant 0 : index
    %get3A_19 = vector.load %arg5[%get3A_17, %get3A_18] : memref<64x1xf32, #tpu.memory_space<vmem>>, vector<64x1xf32>
    %add3A_20 = vector.broadcast %get3A_19 : vector<64x1xf32> to vector<64x8192xf32>
    %add3A_21 = arith.addf %dot_general3A_16, %add3A_20 : vector<64x8192xf32>
    %swap3A = arith.constant 0 : index
    %swap3A_22 = arith.constant 0 : index
    %swap3A_23 = vector.load %arg6[%swap3A, %swap3A_22] : memref<64x8192xf32, #tpu.memory_space<vmem>>, vector<64x8192xf32>
    tpu.vector_store %arg6[%swap3A, %swap3A_22], %add3A_21 {strides = array<i32>} : memref<64x8192xf32, #tpu.memory_space<vmem>>, vector<64x8192xf32>,
    return
  }
  func.func @transform_0(%arg0: i32) -> (i32, i32) {
    %c0_i32 = arith.constant 0 : i32
    %c0_i32_0 = arith.constant 0 : i32
    return %c0_i32, %arg0 : i32, i32
  }
  func.func @transform_1(%arg0: i32) -> (i32, i32) {
    %c0_i32 = arith.constant 0 : i32
    %c0_i32_0 = arith.constant 0 : i32
    %c0_i32_1 = arith.constant 0 : i32
    return %c0_i32, %c0_i32_0 : i32, i32
  }
  func.func @transform_2(%arg0: i32) -> (i32, i32) {
    %c0_i32 = arith.constant 0 : i32
    %c0_i32_0 = arith.constant 0 : i32
    %c0_i32_1 = arith.constant 0 : i32
    return %c0_i32, %c0_i32_0 : i32, i32
  }
  func.func @transform_3(%arg0: i32) -> (i32, i32) {
    %c0_i32 = arith.constant 0 : i32
    %c0_i32_0 = arith.constant 0 : i32
    %c0_i32_1 = arith.constant 0 : i32
    return %c0_i32, %c0_i32_0 : i32, i32
  }
  func.func @transform_4(%arg0: i32) -> (i32, i32) {
    %c0_i32 = arith.constant 0 : i32
    %c0_i32_0 = arith.constant 0 : i32
    %c0_i32_1 = arith.constant 0 : i32
    return %c0_i32, %c0_i32_0 : i32, i32
  }
  func.func @transform_5(%arg0: i32) -> (i32, i32) {
    %c0_i32 = arith.constant 0 : i32
    %c0_i32_0 = arith.constant 0 : i32
    return %c0_i32, %arg0 : i32, i32
  }
}

</mosaic_0001>

<sc_bundles>
// kernel: kernel.4.cloned.1.call-start
scs
__scs_entry_jumppad:
0x0: {  	(pc) =	sbr.rel $0x88, $3  }
0x1: {  	(tag) =	ssettag $0x0;
	lr =	simm.s32 $0x1  }
0x2: {  	[smem:$0x3F9B] =	sst lr;
	_ =	strace $0xD0000000  }
0x3: {  	_ = 	snop  }
0x4: {  	_ = 	snop  }
0x5: {  	_ = 	snop  }
0x6: {  	_ = 	snop  }
0x7: {  	_ = 	snop  }
__scs_overlays_trampoline_lowered:
0x8: {  	[smem:$0x3FAA] =	sst s0  }
0x9: {  	[smem:$0x3FAB] =	sst s1  }
0xa: {  	[smem:$0x3FAC] =	sst s2  }
0xb: {  	[smem:$0x3FAD] =	sst s3  }
0xc: {  	[smem:$0x3FAE] =	sst s4  }
0xd: {  	[smem:$0x3FAF] =	sst s5  }
0xe: {  	[smem:$0x3FB0] =	sst s6  }
0xf: {  	[smem:$0x3FB1] =	sst s7  }
0x10: {  	[smem:$0x3FB2] =	sst s8  }
0x11: {  	[smem:$0x3FB3] =	sst s9;
	s0 =	simm.s32 @!p0 $0x0  }
0x12: {  	s1 =	sld [smem:$0x3F99];
	s0 =	simm.s32 @p0 $0x1  }
0x13: {  	[smem:$0x3FB4] =	sst s0;
	s0 =	simm.s32 @!p1 $0x0  }
0x14: {  	s2 =	sld [smem:$0x3F98];
	s0 =	simm.s32 @p1 $0x1  }
0x15: {  	[smem:$0x3FB5] =	sst s0;
	s0 =	simm.s32 @!p2 $0x0  }
0x16: {  	s3 =	sld [smem:$0x3FDB];
	s0 =	simm.s32 @p2 $0x1  }
0x17: {  	s4 =	simm.s32 $0x1BF5;
	[smem:$0x3FB7] =	sst s0  }
0x18: {  	s0 =	sld [smem:$0x3F9A];
	_ =	swait.ge [sflag:s4], $0x0  }
0x19: {  	s7 =	sld [smem:$0x3F9B]  }
0x1a: {  	s8 =	sadd.s32 $0xFFFFE003, lr  }
0x1b: {  	s9 =	sadd.s32 $0xFFFFFEF7, lr;
	s5 =	simm.s32 $0xFFFFFFFF;
	p2 =	slt.u32 s8, $0xFFFFF086  }
0x1c: {  	p1 =	slt.u32 s9, $0xF7A;
	s5 =	simm.s32 @!p2 $0x0  }
0x1d: {  	s5 =	simm.s32 @p1 $0x1;
	p0 =	seq.s32 s7, s2  }
0x1e: {  	s7 =	smul.u32 @!p0 $0xF7A, s2;
	p2 =	seq.s32 @!p0 s5, $0x0  }
0x1f: {  	s9 =	smul.u32 $0xF7A, s1;
	s8 =	simm.s32 @!p0 $0x1BF5;
	p2 =	por !p2, p0  }
0x20: {  	[sflag:s8] =	ssyncset.s32 @!p0 $0xFFFFF086;
	s6 =	sadd.s32 @!p0 s3, s7;
	s7 =	simm.s32 @!p0 $0x108  }
0x21: {  	s3 =	sadd.s32 s3, s9;
	s6 =	sadd.s32 @!p0 $0x88, s6;
	s7 =	simm.s32 @p2 $0x1082  }
0x22: {  	[simem:s7], [sflag:s8] =	dma.local @!p0 [hbm:s6], $0xF7A  }
0x23: {  	s9 =	sor.u32 $0xD0000000, s2;
	s6 =	simm.s32 $0x108;
	_ =	swait.ge @!p0 [sflag:s8], $0x0  }
0x24: {  	s3 =	sadd.s32 $0x88, s3;
	s6 =	simm.s32 @!p1 $0x1082;
	[sflag:s4] =	ssyncset.s32 $0xFFFFF086  }
0x25: {  	[simem:s6], [sflag:s4] =	dma.local [hbm:s3], $0xF7A  }
0x26: {  	[smem:$0x3F9B] =	sst s1;
	(tag) =	ssettag s2;
	_ =	strace s9  }
0x27: {  	s1 =	sld [smem:$0x3FAB]  }
0x28: {  	s2 =	sld [smem:$0x3FAC]  }
0x29: {  	s4 =	sld [smem:$0x3FAE]  }
0x2a: {  	p0 =	seq.s32 s5, $0x0;
	s5 =	sld [smem:$0x3FAF]  }
0x2b: {  	s6 =	sld [smem:$0x3FB0]  }
0x2c: {  	s7 =	sld [smem:$0x3FB1]  }
0x2d: {  	s3 =	simm.s32 $0x108;
	s8 =	sld [smem:$0x3FB2]  }
0x2e: {  	s3 =	simm.s32 @!p0 $0x1082;
	s9 =	sld [smem:$0x3FB3]  }
0x2f: {  	lr =	sadd.s32 s0, s3;
	s0 =	sld [smem:$0x3FAA]  }
0x30: {  	s3 =	sld [smem:$0x3FAD]  }
0x31: {  	[smem:$0x3FB6] =	sst s10  }
0x32: {  	s10 =	sld [smem:$0x3FB4];
	_ =	sdelay $0x3  }
0x33: {  	p0 =	seq.s32 s10, $0x1;
	s10 =	sld [smem:$0x3FB6];
	_ =	sdelay $0x3  }
0x34: {  	[smem:$0x3FB6] =	sst s10  }
0x35: {  	s10 =	sld [smem:$0x3FB5];
	_ =	sdelay $0x3  }
0x36: {  	p1 =	seq.s32 s10, $0x1;
	s10 =	sld [smem:$0x3FB6];
	_ =	sdelay $0x3  }
0x37: {  	[smem:$0x3FB6] =	sst s10  }
0x38: {  	s10 =	sld [smem:$0x3FB7]  }
0x39: {  	_ = 	snop;
	(pc) =	sbr.ind lr, $3  }
0x3a: {  	_ = 	snop  }
0x3b: {  	_ = 	snop  }
0x3c: {  	p2 =	seq.s32 s10, $0x1;
	s10 =	sld [smem:$0x3FB6]  }
0x3d: {  	_ =	shalt  }
0x3e: {  	_ =	shalt  }
0x3f: {  	_ =	shalt  }
0x40: {  	_ =	shalt  }
0x41: {  	_ =	shalt  }
0x42: {  	_ =	shalt  }
0x43: {  	_ =	shalt  }
0x44: {  	_ =	shalt  }
0x45: {  	_ =	shalt  }
0x46: {  	_ =	shalt  }
0x47: {  	_ =	shalt  }
0x48: {  	_ =	shalt  }
0x49: {  	_ =	shalt  }
0x4a: {  	_ =	shalt  }
0x4b: {  	_ =	shalt  }
0x4c: {  	_ =	shalt  }
0x4d: {  	_ =	shalt  }
0x4e: {  	_ =	shalt  }
0x4f: {  	_ =	shalt  }
0x50: {  	_ =	shalt  }
0x51: {  	_ =	shalt  }
0x52: {  	_ =	shalt  }
0x53: {  	_ =	shalt  }
0x54: {  	_ =	shalt  }
0x55: {  	_ =	shalt  }
0x56: {  	_ =	shalt  }
0x57: {  	_ =	shalt  }
0x58: {  	_ =	shalt  }
0x59: {  	_ =	shalt  }
0x5a: {  	_ =	shalt  }
0x5b: {  	_ =	shalt  }
0x5c: {  	_ =	shalt  }
0x5d: {  	_ =	shalt  }
0x5e: {  	_ =	shalt  }
0x5f: {  	_ =	shalt  }
0x60: {  	_ =	shalt  }
0x61: {  	_ =	shalt  }
0x62: {  	_ =	shalt  }
0x63: {  	_ =	shalt  }
0x64: {  	_ =	shalt  }
0x65: {  	_ =	shalt  }
0x66: {  	_ =	shalt  }
0x67: {  	_ =	shalt  }
0x68: {  	_ =	shalt  }
0x69: {  	_ =	shalt  }
0x6a: {  	_ =	shalt  }
0x6b: {  	_ =	shalt  }
0x6c: {  	_ =	shalt  }
0x6d: {  	_ =	shalt  }
0x6e: {  	_ =	shalt  }
0x6f: {  	_ =	shalt  }
0x70: {  	_ =	shalt  }
0x71: {  	_ =	shalt  }
0x72: {  	_ =	shalt  }
0x73: {  	_ =	shalt  }
0x74: {  	_ =	shalt  }
0x75: {  	_ =	shalt  }
0x76: {  	_ =	shalt  }
0x77: {  	_ =	shalt  }
0x78: {  	_ =	shalt  }
0x79: {  	_ =	shalt  }
0x7a: {  	_ =	shalt  }
0x7b: {  	_ =	shalt  }
0x7c: {  	_ =	shalt  }
0x7d: {  	_ =	shalt  }
0x7e: {  	_ =	shalt  }
0x7f: {  	_ =	shalt  }
0x80: {  	_ =	shalt  }
0x81: {  	_ =	shalt  }
0x82: {  	_ =	shalt  }
0x83: {  	_ =	shalt  }
0x84: {  	_ =	shalt  }
0x85: {  	_ =	shalt  }
0x86: {  	_ =	shalt  }
0x87: {  	_ =	shalt  }
.Lfunc_end0:
.L_simem_size_0:
called_computation_lowered:
.L_overlay_start_0:
0x88: {  	s2 =	sld [smem:$0x3FD9]  }
0x89: {  	s3 =	sld [smem:$0x3FFE];
	_ =	sdelay $0x1  }
0x8a: {  	s1 =	srdreg.scid  }
0x8b: {  	s0 =	sand.u32 $0x1, s1  }
0x8c: {  	s18 =	sshll.u32 s0, $0xA;
	s2 =	sadd.s32 s3, s2  }
0x8d: {  	s2 =	sadd.s32 s2, s18  }
0x8e: {  	[smem:$0x3FC2] =	sst s2  }
0x8f: {  	_ = 	snop  }
0x90: {  	s2 =	sld [smem:$0x3FC9]  }
0x91: {  	s19 =	sld [smem:$0x3FC8]  }
0x92: {  	s4 =	sld [smem:$0x3FD0];
	(tm) =	ssettm $0x1  }
0x93: {  	s5 =	sld [smem:$0x3FFB];
	_ =	sdelay $0x3  }
0x94: {  	_ =	strace s5  }
0x95: {  	s5 =	sld [smem:$0x3FFC];
	_ =	sdelay $0x3  }
0x96: {  	_ =	strace s5  }
0x97: {  	s5 =	sld [smem:$0x3FFD];
	_ =	sdelay $0x3  }
0x98: {  	_ =	strace s5  }
0x99: {  	_ =	strace $0x8FFFFFFF  }
0x9a: {  	s20 =	sld [smem:$0x3FDB];
	_ =	sdelay $0x1  }
0x9b: {  	s6 =	simm.s32 $_scs_section_size  }
0x9c: {  	s7 =	simm.s32 $_size__tile_overlayer_lowered;
	s8 =	simm.s32 $_tile_overlayer_lowered  }
0x9d: {  	s23 =	simm.s32 $0x1BFF;
	s22 =	sshll.u32 s8, $0x1;
	s5 =	sadd.s32 s6, s20  }
0x9e: {  	s9 =	simm.s32 $0x0;
	s21 =	sshll.u32 s7, $0x1;
	s7 =	sadd.s32 s22, s5  }
0x9f: {  	[timem:s9], [sflag:s23] =	dma.local [hbm:s7], s21  }
0xa0: {  	_ =	swait.ge [sflag:s23], s21  }
0xa1: {  	s6 =	ssub.s32 $0x0, s21;
	[sflag:s23] =	ssyncset.done $0x0  }
0xa2: {  	[sflag:s23] =	ssyncadd.s32 s6;
	_ =	sdelay $0x1  }
0xa3: {  	s24 =	simm.s32 $0x1B8B  }
0xa4: {  	_ =	swait.ge [sflag:s24], $0x1  }
0xa5: {  	[sflag:s24] =	ssyncset.done $0x0  }
0xa6: {  	s25 =	simm.s32 $0x1B8E;
	[sflag:s24] =	ssyncadd.s32 $0xFFFFFFFF  }
0xa7: {  	s26 =	simm.s32 $execute0_lowered;
	[smem:$0x3FD2] =	sst s25  }
0xa8: {  	s6 =	sshll.u32 s26, $0x1;
	_ =	strace $0x80000046;
	[dreg:$0x1] =	wrdreg $0xFFFFFFFF  }
0xa9: {  	s28 =	simm.s32 $_size_execute0_lowered;
	s5 =	sadd.s32 s5, s6;
	[dreg:$0x0] =	wrdreg $0x0  }
0xaa: {  	s6 =	sshll.u32 s28, $0x1;
	[dreg:$0x2] =	wrdreg s5  }
0xab: {  	[dreg:$0x3] =	wrdreg s6  }
0xac: {  	[dreg:$0x4] =	wrdreg $0xC0  }
0xad: {  	_ =	task [dreg:s9], $0x5FFFF  }
0xae: {  	[dreg:$0x1] =	wrdreg $0xFFFFFFFF  }
0xaf: {  	[dreg:$0x0] =	wrdreg $0x60  }
0xb0: {  	[dreg:$0x2] =	wrdreg s19  }
0xb1: {  	[dreg:$0x3] =	wrdreg s2  }
0xb2: {  	[dreg:$0x4] =	wrdreg s4  }
0xb3: {  	[dreg:$0x5] =	wrdreg $0x9  }
0xb4: {  	_ =	task.clear_ibuf [dreg:s9], $0x6FFFF;
	_ =	strace $0x90000046  }
0xb5: {  	s29 =	simm.s32 $0x9;
	_ =	strace $0x80000048  }
0xb6: {  	_ =	swait.ge [sflag:s29], $0x1  }
0xb7: {  	[sflag:s29] =	ssyncadd.s32 $0xFFFFFFFF  }
0xb8: {  	_ =	strace $0x90000048  }
0xb9: {  	_ =	sfence  }
0xba: {  	s30 =	sld [smem:$0x0];
	_ =	sdelay $0x2  }
0xbb: {  	s31 =	sshll.u32 s1, $0xD;
	s1 =	sshrl.u32 s1, $0x2  }
0xbc: {  	s3 =	sand.u32 $0x4000, s31;
	s1 =	sadd.s32 s1, s30  }
0xbd: {  	s0 =	sor.u32 s3, s0;
	s1 =	sshll.u32 s1, $0x11  }
0xbe: {  	s0 =	sor.u32 s1, s0  }
0xbf: {  	s0 =	sadd.s32 $0x8F2B, s0  }
0xc0: {  	[sflag:s0] =	ssyncadd.remote.s32 $0x1  }
0xc1: {  	_ =	sfence.sel $0xFFFF  }
0xc2: {  	[dreg:$0x0] =	wrdreg $0xFFFFFFFF;
	(pc) =	sbr.abs _section_cstart, $3  }
0xc3: {  	[dreg:$0x1] =	wrdreg $0xFFFFFFFF  }
0xc4: {  	_ =	task.clear_ibuf [dreg:s9], $0x2FFFF;
	_ =	strace $0x9FFFFFFF  }
0xc5: {  	(tm) =	ssettm $0x7FFFFFFF  }
tec
execute0_lowered:
.L_overlay_start_1:
0x0: {  	(tag) =	ssettag $0x1  }
0x1: {  	s9 =	rddreg [dreg:$0x0]  }
0x2: {  	s1 =	rddreg [dreg:$0x1]  }
0x3: {  	s10 =	rddreg [dreg:$0x2]  }
0x4: {  	s0 =	rddreg [dreg:$0x3]  }
0x5: {  	s3 =	simm.s32 $0x0;
	s4 =	srdreg.scid;
	s2 =	stileid.u32  }
0x6: {  	s19 =	simm.s32 $0x1;
	s20 =	simm.s32 $0x0;
	[smem:$0x7FF] =	sst s3  }
0x7: {  	s4 =	sand.u32 $0x1, s4;
	s5 =	sshll.u32 s2, $0x9;
	s6 =	sshrl.u32 s2, $0x1  }
0x8: {  	s15 =	sadd.s32 $0x1000, s10;
	s16 =	sadd.s32 $0x2000, s10;
	s17 =	sadd.s32 $0x3000, s10  }
0x9: {  	s7 =	sshll.u32 s4, $0x8;
	s5 =	sand.u32 $0x200, s5;
	s8 =	smul.u32 $0xC3800, s6  }
0xa: {  	_ =	strace $0x80000047;
	s4 =	ssub.s32 $0x2, s4;
	s11 =	sor.u32 s7, s5  }
0xb: {  	s12 =	sshll.u32 s6, $0x11;
	s29 =	sshrl.u32 s4, $0x1;
	s5 =	sor.u32 s8, s11  }
0xc: {  	s7 =	sor.u32 s12, s11;
	s14 =	ssub.s32 s4, s29;
	s11 =	sor.u32 $0x80, s11  }
0xd: {  	s5 =	sshrl.u32 s5, $0x3;
	s13 =	sshrl.u32 s7, $0x3;
	s18 =	sor.u32 s8, s11  }
0xe: {  	s11 =	sor.u32 s12, s11;
	s14 =	smax.u32 s14, $0x1;
	s4 =	sadd.s32 s9, s5  }
0xf: {  	s5 =	sadd.s32 s10, s13;
	s6 =	sadd.s32 s13, s15;
	s7 =	sadd.s32 s13, s16  }
0x10: {  	s8 =	sadd.s32 s13, s17;
	s30 =	sshrl.u32 s18, $0x3;
	s31 =	sshrl.u32 s11, $0x3  }
0x11: {  	s18 =	simm.s32 $0x2;
	s9 =	sadd.s32 s9, s30;
	s10 =	sadd.s32 s10, s31  }
0x12: {  	s11 =	sadd.s32 s31, s15;
	s12 =	sadd.s32 s31, s16;
	s13 =	sadd.s32 s31, s17  }
0x13: {  	s15 =	simm.s32 $0x400;
	s16 =	simm.s32 $0x4000;
	s17 =	simm.s32 $0x3  }
.LBB2_1:
0x14: {  	s21 =	simm.s32 $0x80  }
0x15: {  	[tilespmem:s16], [sflag:$0x2] =	stream.strided.gather [hbm4b:s4+s21], $0x18700, s15, s21, $0x38;
	[tilespmem:$0x1E700] =	vst v63  }
0x16: {  	_ = 	snop  }
0x17: {  	[tilespmem:s3], [sflag:$0x3] =	stream.linear.gather [hbm4b:s1+s3], $0x4000, $0x38;
	[tilespmem:$0x1E700] =	vst v63  }
0x18: {  	_ =	swait.ge [sflag:s17], $0x4000  }
0x19: {  	[sflag:s17] =	ssyncset.done $0x0  }
0x1a: {  	[sflag:s17] =	ssyncadd.s32 $0xFFFFC000  }
0x1b: {  	_ =	swait.ge [sflag:s18], $0x18700  }
0x1c: {  	[sflag:s18] =	ssyncset.done $0x0  }
0x1d: {  	[sflag:s18] =	ssyncadd.s32 $0xFFFE7900  }
0x1e: {  	v0 =	vld [tilespmem:s21+$0x70]  }
0x1f: {  	v1 =	vld [tilespmem:s21+$0xFFFFFF90]  }
0x20: {  	v2 =	vld [tilespmem:s21+$0xFFFFFFA0]  }
0x21: {  	v3 =	vld [tilespmem:s21+$0xFFFFFFB0]  }
0x22: {  	v4 =	vld [tilespmem:s21+$0xFFFFFFC0]  }
0x23: {  	v5 =	vld [tilespmem:s21+$0xFFFFFFD0]  }
0x24: {  	v6 =	vld [tilespmem:s21+$0xFFFFFFE0]  }
0x25: {  	v7 =	vld [tilespmem:s21+$0xFFFFFFF0]  }
0x26: {  	v8 =	vld [tilespmem:s21+$0x0]  }
0x27: {  	v9 =	vld [tilespmem:s21+$0x10]  }
0x28: {  	v10 =	vld [tilespmem:s21+$0x20]  }
0x29: {  	v11 =	vld [tilespmem:s21+$0x30]  }
0x2a: {  	v12 =	vld [tilespmem:s21+$0x40]  }
0x2b: {  	v13 =	vld [tilespmem:s21+$0x50]  }
0x2c: {  	v14 =	vld [tilespmem:s21+$0x60]  }
0x2d: {  	v15 =	vld [tilespmem:s21+$0xFFFFFF80]  }
0x2e: {  	v0 =	vld.idx.msk [tilespmem:v0+s16+$0x0], $0xffff  }
0x2f: {  	v1 =	vld.idx.msk [tilespmem:v1+s16+$0x0], $0xffff  }
0x30: {  	v2 =	vld.idx.msk [tilespmem:v2+s16+$0x0], $0xffff  }
0x31: {  	v3 =	vld.idx.msk [tilespmem:v3+s16+$0x0], $0xffff  }
0x32: {  	v4 =	vld.idx.msk [tilespmem:v4+s16+$0x0], $0xffff  }
0x33: {  	s21 =	simm.s32 $0x1C800;
	v5 =	vld.idx.msk [tilespmem:v5+s16+$0x0], $0xffff  }
0x34: {  	v6 =	vld.idx.msk [tilespmem:v6+s16+$0x0], $0xffff;
	[tilespmem:s21+$0x70] =	vst v0  }
0x35: {  	v7 =	vld.idx.msk [tilespmem:v7+s16+$0x0], $0xffff;
	[tilespmem:s21+$0xFFFFFF10] =	vst v1  }
0x36: {  	v15 =	vld.idx.msk [tilespmem:v15+s16+$0x0], $0xffff;
	[tilespmem:s21+$0xFFFFFF20] =	vst v2  }
0x37: {  	v8 =	vld.idx.msk [tilespmem:v8+s16+$0x0], $0xffff;
	[tilespmem:s21+$0xFFFFFF30] =	vst v3  }
0x38: {  	[tilespmem:s21+$0xFFFFFF40] =	vst v4;
	v0 =	vld.idx.msk [tilespmem:v9+s16+$0x0], $0xffff  }
0x39: {  	[tilespmem:s21+$0xFFFFFF50] =	vst v5;
	v1 =	vld.idx.msk [tilespmem:v10+s16+$0x0], $0xffff  }
0x3a: {  	[tilespmem:s21+$0xFFFFFF60] =	vst v6;
	v2 =	vld.idx.msk [tilespmem:v11+s16+$0x0], $0xffff  }
0x3b: {  	[tilespmem:s21+$0xFFFFFF70] =	vst v7;
	v3 =	vld.idx.msk [tilespmem:v12+s16+$0x0], $0xffff  }
0x3c: {  	[tilespmem:s21+$0xFFFFFF00] =	vst v15;
	v4 =	vld.idx.msk [tilespmem:v13+s16+$0x0], $0xffff  }
0x3d: {  	s22 =	simm.s32 $0x0;
	s23 =	simm.s32 $0x180;
	[tilespmem:s21+$0x0] =	vst v8;
	v5 =	vld.idx.msk [tilespmem:v14+s16+$0x0], $0xffff  }
.LBB2_2:
0x3e: {  	v6 =	vld [tilespmem:s23+$0x70];
	s22 =	sadd.s32 $0x10, s22;
	[tilespmem:s21+$0x10] =	vst v0  }
0x3f: {  	v0 =	vld [tilespmem:s23+$0xFFFFFF90];
	p0 =	slt.u32 s22, $0xF0;
	[tilespmem:s21+$0x20] =	vst v1  }
0x40: {  	v1 =	vld [tilespmem:s23+$0xFFFFFFA0];
	[tilespmem:s21+$0x30] =	vst v2  }
0x41: {  	v2 =	vld [tilespmem:s23+$0xFFFFFFB0];
	[tilespmem:s21+$0x40] =	vst v3  }
0x42: {  	v3 =	vld [tilespmem:s23+$0xFFFFFFC0];
	[tilespmem:s21+$0x50] =	vst v4  }
0x43: {  	v4 =	vld [tilespmem:s23+$0xFFFFFFD0];
	[tilespmem:s21+$0x60] =	vst v5  }
0x44: {  	v5 =	vld [tilespmem:s23+$0xFFFFFFE0]  }
0x45: {  	v7 =	vld [tilespmem:s23+$0xFFFFFFF0]  }
0x46: {  	v6 =	vld.idx.msk [tilespmem:v6+s16+$0x0], $0xffff  }
0x47: {  	v8 =	vld [tilespmem:s23+$0x0]  }
0x48: {  	v9 =	vld [tilespmem:s23+$0x10]  }
0x49: {  	v10 =	vld [tilespmem:s23+$0x20]  }
0x4a: {  	v11 =	vld [tilespmem:s23+$0x30]  }
0x4b: {  	s21 =	sadd.s32 $0x200, s21;
	v12 =	vld [tilespmem:s23+$0x40]  }
0x4c: {  	v13 =	vld [tilespmem:s23+$0x50];
	[tilespmem:s21+$0x70] =	vst v6  }
0x4d: {  	v6 =	vld [tilespmem:s23+$0x60]  }
0x4e: {  	v14 =	vld [tilespmem:s23+$0xFFFFFF80]  }
0x4f: {  	v0 =	vld.idx.msk [tilespmem:v0+s16+$0x0], $0xffff  }
0x50: {  	v1 =	vld.idx.msk [tilespmem:v1+s16+$0x0], $0xffff  }
0x51: {  	v2 =	vld.idx.msk [tilespmem:v2+s16+$0x0], $0xffff  }
0x52: {  	v3 =	vld.idx.msk [tilespmem:v3+s16+$0x0], $0xffff  }
0x53: {  	v4 =	vld.idx.msk [tilespmem:v4+s16+$0x0], $0xffff  }
0x54: {  	v5 =	vld.idx.msk [tilespmem:v5+s16+$0x0], $0xffff  }
0x55: {  	[tilespmem:s21+$0xFFFFFF10] =	vst v0;
	v7 =	vld.idx.msk [tilespmem:v7+s16+$0x0], $0xffff  }
0x56: {  	v14 =	vld.idx.msk [tilespmem:v14+s16+$0x0], $0xffff;
	[tilespmem:s21+$0xFFFFFF20] =	vst v1  }
0x57: {  	[tilespmem:s21+$0xFFFFFF30] =	vst v2;
	v8 =	vld.idx.msk [tilespmem:v8+s16+$0x0], $0xffff  }
0x58: {  	[tilespmem:s21+$0xFFFFFF40] =	vst v3;
	v0 =	vld.idx.msk [tilespmem:v9+s16+$0x0], $0xffff  }
.Ltmp0:
0x59: {  	[tilespmem:s21+$0xFFFFFF50] =	vst v4;
	v1 =	vld.idx.msk [tilespmem:v10+s16+$0x0], $0xffff;
	(pc) =	sbr.rel @p0 .LBB2_2-.Ltmp0, $4  }
0x5a: {  	[tilespmem:s21+$0xFFFFFF60] =	vst v5;
	v2 =	vld.idx.msk [tilespmem:v11+s16+$0x0], $0xffff  }
0x5b: {  	[tilespmem:s21+$0xFFFFFF70] =	vst v7;
	v3 =	vld.idx.msk [tilespmem:v12+s16+$0x0], $0xffff  }
0x5c: {  	[tilespmem:s21+$0xFFFFFF00] =	vst v14;
	v4 =	vld.idx.msk [tilespmem:v13+s16+$0x0], $0xffff  }
0x5d: {  	s23 =	sadd.s32 $0x100, s23;
	[tilespmem:s21+$0x0] =	vst v8;
	v5 =	vld.idx.msk [tilespmem:v6+s16+$0x0], $0xffff  }
0x5e: {  	[tilespmem:s21+$0x10] =	vst v0  }
0x5f: {  	[tilespmem:s21+$0x20] =	vst v1  }
0x60: {  	[tilespmem:s21+$0x30] =	vst v2  }
0x61: {  	[tilespmem:s21+$0x40] =	vst v3  }
0x62: {  	[tilespmem:s21+$0x50] =	vst v4  }
0x63: {  	s22 =	simm.s32 $0x1C700;
	[tilespmem:s21+$0x60] =	vst v5;
	s21 =	simm.s32 $0x0  }
.LBB2_4:
0x64: {  	p0 =	sne.s32 s21, $0xF80  }
.Ltmp1:
0x65: {  	_ = 	snop;
	(pc) =	sbr.rel @p0 .LBB2_4-.Ltmp1, $4  }
0x66: {  	_ = 	snop  }
0x67: {  	s23 =	sadd.s32 s21, s5  }
0x68: {  	[hbm4b:s23+s3] =	stream.linear.scatter [tilespmem:s22], [sflag:$0x1], $0x80, $0x38;
	[tilespmem:$0x1E700] =	vst v63  }
0x69: {  	s21 =	sadd.s32 $0x80, s21;
	s22 =	sadd.s32 $0x100, s22  }
0x6a: {  	s21 =	simm.s32 $0x10F0  }
0x6b: {  	v0 =	vld [tilespmem:s21+$0x0]  }
0x6c: {  	v1 =	vld [tilespmem:s21+$0xFFFFFF20]  }
0x6d: {  	v2 =	vld [tilespmem:s21+$0xFFFFFF30]  }
0x6e: {  	v3 =	vld [tilespmem:s21+$0xFFFFFF40]  }
0x6f: {  	v4 =	vld [tilespmem:s21+$0xFFFFFF50]  }
0x70: {  	v5 =	vld [tilespmem:s21+$0xFFFFFF60]  }
0x71: {  	v6 =	vld [tilespmem:s21+$0xFFFFFF70]  }
0x72: {  	v7 =	vld [tilespmem:s21+$0xFFFFFF80]  }
0x73: {  	v8 =	vld [tilespmem:s21+$0xFFFFFF90]  }
0x74: {  	v9 =	vld [tilespmem:s21+$0xFFFFFFA0]  }
0x75: {  	v10 =	vld [tilespmem:s21+$0xFFFFFFB0]  }
0x76: {  	v11 =	vld [tilespmem:s21+$0xFFFFFFC0]  }
0x77: {  	v12 =	vld [tilespmem:s21+$0xFFFFFFD0]  }
0x78: {  	v13 =	vld [tilespmem:s21+$0xFFFFFFE0]  }
0x79: {  	v14 =	vld [tilespmem:s21+$0xFFFFFFF0]  }
0x7a: {  	v15 =	vld [tilespmem:s21+$0xFFFFFF10]  }
0x7b: {  	v0 =	vld.idx.msk [tilespmem:v0+s16+$0x0], $0xffff  }
0x7c: {  	v1 =	vld.idx.msk [tilespmem:v1+s16+$0x0], $0xffff  }
0x7d: {  	v2 =	vld.idx.msk [tilespmem:v2+s16+$0x0], $0xffff  }
0x7e: {  	v3 =	vld.idx.msk [tilespmem:v3+s16+$0x0], $0xffff  }
0x7f: {  	v4 =	vld.idx.msk [tilespmem:v4+s16+$0x0], $0xffff  }
0x80: {  	s21 =	simm.s32 $0x1C880;
	v5 =	vld.idx.msk [tilespmem:v5+s16+$0x0], $0xffff  }
0x81: {  	v6 =	vld.idx.msk [tilespmem:v6+s16+$0x0], $0xffff;
	[tilespmem:s21+$0x70] =	vst v0  }
0x82: {  	v7 =	vld.idx.msk [tilespmem:v7+s16+$0x0], $0xffff;
	[tilespmem:s21+$0xFFFFFF10] =	vst v1  }
0x83: {  	v15 =	vld.idx.msk [tilespmem:v15+s16+$0x0], $0xffff;
	[tilespmem:s21+$0xFFFFFF20] =	vst v2  }
0x84: {  	v8 =	vld.idx.msk [tilespmem:v8+s16+$0x0], $0xffff;
	[tilespmem:s21+$0xFFFFFF30] =	vst v3  }
0x85: {  	[tilespmem:s21+$0xFFFFFF40] =	vst v4;
	v0 =	vld.idx.msk [tilespmem:v9+s16+$0x0], $0xffff  }
0x86: {  	[tilespmem:s21+$0xFFFFFF50] =	vst v5;
	v1 =	vld.idx.msk [tilespmem:v10+s16+$0x0], $0xffff  }
0x87: {  	[tilespmem:s21+$0xFFFFFF60] =	vst v6;
	v2 =	vld.idx.msk [tilespmem:v11+s16+$0x0], $0xffff  }
0x88: {  	[tilespmem:s21+$0xFFFFFF70] =	vst v7;
	v3 =	vld.idx.msk [tilespmem:v12+s16+$0x0], $0xffff  }
0x89: {  	[tilespmem:s21+$0xFFFFFF00] =	vst v15;
	v4 =	vld.idx.msk [tilespmem:v13+s16+$0x0], $0xffff  }
0x8a: {  	s22 =	simm.s32 $0x0;
	s23 =	simm.s32 $0x11F0;
	[tilespmem:s21+$0x0] =	vst v8;
	v5 =	vld.idx.msk [tilespmem:v14+s16+$0x0], $0xffff  }
.LBB2_6:
0x8b: {  	v6 =	vld [tilespmem:s23+$0x0];
	s22 =	sadd.s32 $0x10, s22;
	[tilespmem:s21+$0x10] =	vst v0  }
0x8c: {  	v0 =	vld [tilespmem:s23+$0xFFFFFF20];
	p0 =	slt.u32 s22, $0xF0;
	[tilespmem:s21+$0x20] =	vst v1  }
0x8d: {  	v1 =	vld [tilespmem:s23+$0xFFFFFF30];
	[tilespmem:s21+$0x30] =	vst v2  }
0x8e: {  	v2 =	vld [tilespmem:s23+$0xFFFFFF40];
	[tilespmem:s21+$0x40] =	vst v3  }
0x8f: {  	v3 =	vld [tilespmem:s23+$0xFFFFFF50];
	[tilespmem:s21+$0x50] =	vst v4  }
0x90: {  	v4 =	vld [tilespmem:s23+$0xFFFFFF60];
	[tilespmem:s21+$0x60] =	vst v5  }
0x91: {  	v5 =	vld [tilespmem:s23+$0xFFFFFF70]  }
0x92: {  	v7 =	vld [tilespmem:s23+$0xFFFFFF80]  }
0x93: {  	v6 =	vld.idx.msk [tilespmem:v6+s16+$0x0], $0xffff  }
0x94: {  	v8 =	vld [tilespmem:s23+$0xFFFFFF90]  }
0x95: {  	v9 =	vld [tilespmem:s23+$0xFFFFFFA0]  }
0x96: {  	v10 =	vld [tilespmem:s23+$0xFFFFFFB0]  }
0x97: {  	v11 =	vld [tilespmem:s23+$0xFFFFFFC0]  }
0x98: {  	s21 =	sadd.s32 $0x200, s21;
	v12 =	vld [tilespmem:s23+$0xFFFFFFD0]  }
0x99: {  	v13 =	vld [tilespmem:s23+$0xFFFFFFE0];
	[tilespmem:s21+$0x70] =	vst v6  }
0x9a: {  	v6 =	vld [tilespmem:s23+$0xFFFFFFF0]  }
0x9b: {  	v14 =	vld [tilespmem:s23+$0xFFFFFF10]  }
0x9c: {  	v0 =	vld.idx.msk [tilespmem:v0+s16+$0x0], $0xffff  }
0x9d: {  	v1 =	vld.idx.msk [tilespmem:v1+s16+$0x0], $0xffff  }
0x9e: {  	v2 =	vld.idx.msk [tilespmem:v2+s16+$0x0], $0xffff  }
0x9f: {  	v3 =	vld.idx.msk [tilespmem:v3+s16+$0x0], $0xffff  }
0xa0: {  	v4 =	vld.idx.msk [tilespmem:v4+s16+$0x0], $0xffff  }
0xa1: {  	v5 =	vld.idx.msk [tilespmem:v5+s16+$0x0], $0xffff  }
0xa2: {  	[tilespmem:s21+$0xFFFFFF10] =	vst v0;
	v7 =	vld.idx.msk [tilespmem:v7+s16+$0x0], $0xffff  }
0xa3: {  	v14 =	vld.idx.msk [tilespmem:v14+s16+$0x0], $0xffff;
	[tilespmem:s21+$0xFFFFFF20] =	vst v1  }
0xa4: {  	[tilespmem:s21+$0xFFFFFF30] =	vst v2;
	v8 =	vld.idx.msk [tilespmem:v8+s16+$0x0], $0xffff  }
0xa5: {  	[tilespmem:s21+$0xFFFFFF40] =	vst v3;
	v0 =	vld.idx.msk [tilespmem:v9+s16+$0x0], $0xffff  }
.Ltmp2:
0xa6: {  	[tilespmem:s21+$0xFFFFFF50] =	vst v4;
	v1 =	vld.idx.msk [tilespmem:v10+s16+$0x0], $0xffff;
	(pc) =	sbr.rel @p0 .LBB2_6-.Ltmp2, $4  }
0xa7: {  	[tilespmem:s21+$0xFFFFFF60] =	vst v5;
	v2 =	vld.idx.msk [tilespmem:v11+s16+$0x0], $0xffff  }
0xa8: {  	[tilespmem:s21+$0xFFFFFF70] =	vst v7;
	v3 =	vld.idx.msk [tilespmem:v12+s16+$0x0], $0xffff  }
0xa9: {  	[tilespmem:s21+$0xFFFFFF00] =	vst v14;
	v4 =	vld.idx.msk [tilespmem:v13+s16+$0x0], $0xffff  }
0xaa: {  	s23 =	sadd.s32 $0x100, s23;
	[tilespmem:s21+$0x0] =	vst v8;
	v5 =	vld.idx.msk [tilespmem:v6+s16+$0x0], $0xffff  }
0xab: {  	[tilespmem:s21+$0x10] =	vst v0  }
0xac: {  	[tilespmem:s21+$0x20] =	vst v1  }
0xad: {  	[tilespmem:s21+$0x30] =	vst v2  }
0xae: {  	[tilespmem:s21+$0x40] =	vst v3  }
0xaf: {  	s22 =	simm.s32 $0x1C780;
	[tilespmem:s21+$0x50] =	vst v4  }
0xb0: {  	s24 =	sadd.s32 $0x0, s6;
	s23 =	simm.s32 $0x1C880;
	[tilespmem:s21+$0x60] =	vst v5;
	s21 =	simm.s32 $0x80  }
.LBB2_8:
0xb1: {  	[hbm4b:s24+s3] =	stream.linear.scatter [tilespmem:s22], [sflag:$0x1], $0x80, $0x38;
	[tilespmem:$0x1E700] =	vst v63  }
0xb2: {  	s24 =	smov.u32 s21;
	s22 =	smov.u32 s23;
	p0 =	sne.s32 s21, $0xF80  }
.Ltmp3:
0xb3: {  	s21 =	sadd.s32 $0x80, s21;
	(pc) =	sbr.rel @p0 .LBB2_8-.Ltmp3, $2  }
0xb4: {  	_ =	sdelay $0x2  }
0xb5: {  	s23 =	sadd.s32 $0x100, s23;
	s24 =	sadd.s32 s24, s6  }
0xb6: {  	[hbm4b:s24+s3] =	stream.linear.scatter [tilespmem:s22], [sflag:$0x1], $0x80, $0x38;
	[tilespmem:$0x1E700] =	vst v63  }
0xb7: {  	_ =	swait.ge [sflag:s19], $0x1000  }
0xb8: {  	[sflag:s19] =	ssyncset.done $0x0  }
0xb9: {  	s21 =	simm.s32 $0x20F0;
	[sflag:s19] =	ssyncadd.s32 $0xFFFFF000  }
0xba: {  	v0 =	vld [tilespmem:s21+$0x0]  }
0xbb: {  	v1 =	vld [tilespmem:s21+$0xFFFFFF20]  }
0xbc: {  	v2 =	vld [tilespmem:s21+$0xFFFFFF30]  }
0xbd: {  	v3 =	vld [tilespmem:s21+$0xFFFFFF40]  }
0xbe: {  	v4 =	vld [tilespmem:s21+$0xFFFFFF50]  }
0xbf: {  	v5 =	vld [tilespmem:s21+$0xFFFFFF60]  }
0xc0: {  	v6 =	vld [tilespmem:s21+$0xFFFFFF70]  }
0xc1: {  	v7 =	vld [tilespmem:s21+$0xFFFFFF80]  }
0xc2: {  	v8 =	vld [tilespmem:s21+$0xFFFFFF90]  }
0xc3: {  	v9 =	vld [tilespmem:s21+$0xFFFFFFA0]  }
0xc4: {  	v10 =	vld [tilespmem:s21+$0xFFFFFFB0]  }
0xc5: {  	v11 =	vld [tilespmem:s21+$0xFFFFFFC0]  }
0xc6: {  	v12 =	vld [tilespmem:s21+$0xFFFFFFD0]  }
0xc7: {  	v13 =	vld [tilespmem:s21+$0xFFFFFFE0]  }
0xc8: {  	v14 =	vld [tilespmem:s21+$0xFFFFFFF0]  }
0xc9: {  	v15 =	vld [tilespmem:s21+$0xFFFFFF10]  }
0xca: {  	v0 =	vld.idx.msk [tilespmem:v0+s16+$0x0], $0xffff  }
0xcb: {  	v1 =	vld.idx.msk [tilespmem:v1+s16+$0x0], $0xffff  }
0xcc: {  	v2 =	vld.idx.msk [tilespmem:v2+s16+$0x0], $0xffff  }
0xcd: {  	v3 =	vld.idx.msk [tilespmem:v3+s16+$0x0], $0xffff  }
0xce: {  	v4 =	vld.idx.msk [tilespmem:v4+s16+$0x0], $0xffff  }
0xcf: {  	s21 =	simm.s32 $0x1C800;
	v5 =	vld.idx.msk [tilespmem:v5+s16+$0x0], $0xffff  }
0xd0: {  	v6 =	vld.idx.msk [tilespmem:v6+s16+$0x0], $0xffff;
	[tilespmem:s21+$0x70] =	vst v0  }
0xd1: {  	v7 =	vld.idx.msk [tilespmem:v7+s16+$0x0], $0xffff;
	[tilespmem:s21+$0xFFFFFF10] =	vst v1  }
0xd2: {  	v15 =	vld.idx.msk [tilespmem:v15+s16+$0x0], $0xffff;
	[tilespmem:s21+$0xFFFFFF20] =	vst v2  }
0xd3: {  	v8 =	vld.idx.msk [tilespmem:v8+s16+$0x0], $0xffff;
	[tilespmem:s21+$0xFFFFFF30] =	vst v3  }
0xd4: {  	[tilespmem:s21+$0xFFFFFF40] =	vst v4;
	v0 =	vld.idx.msk [tilespmem:v9+s16+$0x0], $0xffff  }
0xd5: {  	[tilespmem:s21+$0xFFFFFF50] =	vst v5;
	v1 =	vld.idx.msk [tilespmem:v10+s16+$0x0], $0xffff  }
0xd6: {  	[tilespmem:s21+$0xFFFFFF60] =	vst v6;
	v2 =	vld.idx.msk [tilespmem:v11+s16+$0x0], $0xffff  }
0xd7: {  	[tilespmem:s21+$0xFFFFFF70] =	vst v7;
	v3 =	vld.idx.msk [tilespmem:v12+s16+$0x0], $0xffff  }
0xd8: {  	[tilespmem:s21+$0xFFFFFF00] =	vst v15;
	v4 =	vld.idx.msk [tilespmem:v13+s16+$0x0], $0xffff  }
0xd9: {  	s22 =	simm.s32 $0x0;
	s23 =	simm.s32 $0x21F0;
	[tilespmem:s21+$0x0] =	vst v8;
	v5 =	vld.idx.msk [tilespmem:v14+s16+$0x0], $0xffff  }
.LBB2_10:
0xda: {  	v6 =	vld [tilespmem:s23+$0x0];
	s22 =	sadd.s32 $0x10, s22;
	[tilespmem:s21+$0x10] =	vst v0  }
0xdb: {  	v0 =	vld [tilespmem:s23+$0xFFFFFF20];
	p0 =	slt.u32 s22, $0xF0;
	[tilespmem:s21+$0x20] =	vst v1  }
0xdc: {  	v1 =	vld [tilespmem:s23+$0xFFFFFF30];
	[tilespmem:s21+$0x30] =	vst v2  }
0xdd: {  	v2 =	vld [tilespmem:s23+$0xFFFFFF40];
	[tilespmem:s21+$0x40] =	vst v3  }
0xde: {  	v3 =	vld [tilespmem:s23+$0xFFFFFF50];
	[tilespmem:s21+$0x50] =	vst v4  }
0xdf: {  	v4 =	vld [tilespmem:s23+$0xFFFFFF60];
	[tilespmem:s21+$0x60] =	vst v5  }
0xe0: {  	v5 =	vld [tilespmem:s23+$0xFFFFFF70]  }
0xe1: {  	v7 =	vld [tilespmem:s23+$0xFFFFFF80]  }
0xe2: {  	v6 =	vld.idx.msk [tilespmem:v6+s16+$0x0], $0xffff  }
0xe3: {  	v8 =	vld [tilespmem:s23+$0xFFFFFF90]  }
0xe4: {  	v9 =	vld [tilespmem:s23+$0xFFFFFFA0]  }
0xe5: {  	v10 =	vld [tilespmem:s23+$0xFFFFFFB0]  }
0xe6: {  	v11 =	vld [tilespmem:s23+$0xFFFFFFC0]  }
0xe7: {  	s21 =	sadd.s32 $0x200, s21;
	v12 =	vld [tilespmem:s23+$0xFFFFFFD0]  }
0xe8: {  	v13 =	vld [tilespmem:s23+$0xFFFFFFE0];
	[tilespmem:s21+$0x70] =	vst v6  }
0xe9: {  	v6 =	vld [tilespmem:s23+$0xFFFFFFF0]  }
0xea: {  	v14 =	vld [tilespmem:s23+$0xFFFFFF10]  }
0xeb: {  	v0 =	vld.idx.msk [tilespmem:v0+s16+$0x0], $0xffff  }
0xec: {  	v1 =	vld.idx.msk [tilespmem:v1+s16+$0x0], $0xffff  }
0xed: {  	v2 =	vld.idx.msk [tilespmem:v2+s16+$0x0], $0xffff  }
0xee: {  	v3 =	vld.idx.msk [tilespmem:v3+s16+$0x0], $0xffff  }
0xef: {  	v4 =	vld.idx.msk [tilespmem:v4+s16+$0x0], $0xffff  }
0xf0: {  	v5 =	vld.idx.msk [tilespmem:v5+s16+$0x0], $0xffff  }
0xf1: {  	[tilespmem:s21+$0xFFFFFF10] =	vst v0;
	v7 =	vld.idx.msk [tilespmem:v7+s16+$0x0], $0xffff  }
0xf2: {  	v14 =	vld.idx.msk [tilespmem:v14+s16+$0x0], $0xffff;
	[tilespmem:s21+$0xFFFFFF20] =	vst v1  }
0xf3: {  	[tilespmem:s21+$0xFFFFFF30] =	vst v2;
	v8 =	vld.idx.msk [tilespmem:v8+s16+$0x0], $0xffff  }
0xf4: {  	[tilespmem:s21+$0xFFFFFF40] =	vst v3;
	v0 =	vld.idx.msk [tilespmem:v9+s16+$0x0], $0xffff  }
.Ltmp4:
0xf5: {  	[tilespmem:s21+$0xFFFFFF50] =	vst v4;
	v1 =	vld.idx.msk [tilespmem:v10+s16+$0x0], $0xffff;
	(pc) =	sbr.rel @p0 .LBB2_10-.Ltmp4, $4  }
0xf6: {  	[tilespmem:s21+$0xFFFFFF60] =	vst v5;
	v2 =	vld.idx.msk [tilespmem:v11+s16+$0x0], $0xffff  }
0xf7: {  	[tilespmem:s21+$0xFFFFFF70] =	vst v7;
	v3 =	vld.idx.msk [tilespmem:v12+s16+$0x0], $0xffff  }
0xf8: {  	[tilespmem:s21+$0xFFFFFF00] =	vst v14;
	v4 =	vld.idx.msk [tilespmem:v13+s16+$0x0], $0xffff  }
0xf9: {  	s23 =	sadd.s32 $0x100, s23;
	[tilespmem:s21+$0x0] =	vst v8;
	v5 =	vld.idx.msk [tilespmem:v6+s16+$0x0], $0xffff  }
0xfa: {  	[tilespmem:s21+$0x10] =	vst v0  }
0xfb: {  	[tilespmem:s21+$0x20] =	vst v1  }
0xfc: {  	[tilespmem:s21+$0x30] =	vst v2  }
0xfd: {  	[tilespmem:s21+$0x40] =	vst v3  }
0xfe: {  	s22 =	simm.s32 $0x1C700;
	[tilespmem:s21+$0x50] =	vst v4  }
0xff: {  	s24 =	sadd.s32 $0x0, s7;
	s23 =	simm.s32 $0x1C800;
	[tilespmem:s21+$0x60] =	vst v5;
	s21 =	simm.s32 $0x80  }
.LBB2_12:
0x100: {  	[hbm4b:s24+s3] =	stream.linear.scatter [tilespmem:s22], [sflag:$0x1], $0x80, $0x38;
	[tilespmem:$0x1E700] =	vst v63  }
0x101: {  	s24 =	smov.u32 s21;
	s22 =	smov.u32 s23;
	p0 =	sne.s32 s21, $0xF80  }
.Ltmp5:
0x102: {  	s21 =	sadd.s32 $0x80, s21;
	(pc) =	sbr.rel @p0 .LBB2_12-.Ltmp5, $2  }
0x103: {  	_ =	sdelay $0x2  }
0x104: {  	s23 =	sadd.s32 $0x100, s23;
	s24 =	sadd.s32 s24, s7  }
0x105: {  	[hbm4b:s24+s3] =	stream.linear.scatter [tilespmem:s22], [sflag:$0x1], $0x80, $0x38;
	[tilespmem:$0x1E700] =	vst v63  }
0x106: {  	_ =	swait.ge [sflag:s19], $0x1000  }
0x107: {  	[sflag:s19] =	ssyncset.done $0x0  }
0x108: {  	s21 =	simm.s32 $0x30F0;
	[sflag:s19] =	ssyncadd.s32 $0xFFFFF000  }
0x109: {  	v0 =	vld [tilespmem:s21+$0x0]  }
0x10a: {  	v1 =	vld [tilespmem:s21+$0xFFFFFF20]  }
0x10b: {  	v2 =	vld [tilespmem:s21+$0xFFFFFF30]  }
0x10c: {  	v3 =	vld [tilespmem:s21+$0xFFFFFF40]  }
0x10d: {  	v4 =	vld [tilespmem:s21+$0xFFFFFF50]  }
0x10e: {  	v5 =	vld [tilespmem:s21+$0xFFFFFF60]  }
0x10f: {  	v6 =	vld [tilespmem:s21+$0xFFFFFF70]  }
0x110: {  	v7 =	vld [tilespmem:s21+$0xFFFFFF80]  }
0x111: {  	v8 =	vld [tilespmem:s21+$0xFFFFFF90]  }
0x112: {  	v9 =	vld [tilespmem:s21+$0xFFFFFFA0]  }
0x113: {  	v10 =	vld [tilespmem:s21+$0xFFFFFFB0]  }
0x114: {  	v11 =	vld [tilespmem:s21+$0xFFFFFFC0]  }
0x115: {  	v12 =	vld [tilespmem:s21+$0xFFFFFFD0]  }
0x116: {  	v13 =	vld [tilespmem:s21+$0xFFFFFFE0]  }
0x117: {  	v14 =	vld [tilespmem:s21+$0xFFFFFFF0]  }
0x118: {  	v15 =	vld [tilespmem:s21+$0xFFFFFF10]  }
0x119: {  	v0 =	vld.idx.msk [tilespmem:v0+s16+$0x0], $0xffff  }
0x11a: {  	v1 =	vld.idx.msk [tilespmem:v1+s16+$0x0], $0xffff  }
0x11b: {  	v2 =	vld.idx.msk [tilespmem:v2+s16+$0x0], $0xffff  }
0x11c: {  	v3 =	vld.idx.msk [tilespmem:v3+s16+$0x0], $0xffff  }
0x11d: {  	v4 =	vld.idx.msk [tilespmem:v4+s16+$0x0], $0xffff  }
0x11e: {  	s21 =	simm.s32 $0x1C880;
	v5 =	vld.idx.msk [tilespmem:v5+s16+$0x0], $0xffff  }
0x11f: {  	v6 =	vld.idx.msk [tilespmem:v6+s16+$0x0], $0xffff;
	[tilespmem:s21+$0x70] =	vst v0  }
0x120: {  	v7 =	vld.idx.msk [tilespmem:v7+s16+$0x0], $0xffff;
	[tilespmem:s21+$0xFFFFFF10] =	vst v1  }
0x121: {  	v15 =	vld.idx.msk [tilespmem:v15+s16+$0x0], $0xffff;
	[tilespmem:s21+$0xFFFFFF20] =	vst v2  }
0x122: {  	v8 =	vld.idx.msk [tilespmem:v8+s16+$0x0], $0xffff;
	[tilespmem:s21+$0xFFFFFF30] =	vst v3  }
0x123: {  	[tilespmem:s21+$0xFFFFFF40] =	vst v4;
	v0 =	vld.idx.msk [tilespmem:v9+s16+$0x0], $0xffff  }
0x124: {  	[tilespmem:s21+$0xFFFFFF50] =	vst v5;
	v1 =	vld.idx.msk [tilespmem:v10+s16+$0x0], $0xffff  }
0x125: {  	[tilespmem:s21+$0xFFFFFF60] =	vst v6;
	v2 =	vld.idx.msk [tilespmem:v11+s16+$0x0], $0xffff  }
0x126: {  	[tilespmem:s21+$0xFFFFFF70] =	vst v7;
	v3 =	vld.idx.msk [tilespmem:v12+s16+$0x0], $0xffff  }
0x127: {  	[tilespmem:s21+$0xFFFFFF00] =	vst v15;
	v4 =	vld.idx.msk [tilespmem:v13+s16+$0x0], $0xffff  }
0x128: {  	s22 =	simm.s32 $0x0;
	s23 =	simm.s32 $0x31F0;
	[tilespmem:s21+$0x0] =	vst v8;
	v5 =	vld.idx.msk [tilespmem:v14+s16+$0x0], $0xffff  }
.LBB2_14:
0x129: {  	v6 =	vld [tilespmem:s23+$0x0];
	s22 =	sadd.s32 $0x10, s22;
	[tilespmem:s21+$0x10] =	vst v0  }
0x12a: {  	v0 =	vld [tilespmem:s23+$0xFFFFFF20];
	p0 =	slt.u32 s22, $0xF0;
	[tilespmem:s21+$0x20] =	vst v1  }
0x12b: {  	v1 =	vld [tilespmem:s23+$0xFFFFFF30];
	[tilespmem:s21+$0x30] =	vst v2  }
0x12c: {  	v2 =	vld [tilespmem:s23+$0xFFFFFF40];
	[tilespmem:s21+$0x40] =	vst v3  }
0x12d: {  	v3 =	vld [tilespmem:s23+$0xFFFFFF50];
	[tilespmem:s21+$0x50] =	vst v4  }
0x12e: {  	v4 =	vld [tilespmem:s23+$0xFFFFFF60];
	[tilespmem:s21+$0x60] =	vst v5  }
0x12f: {  	v5 =	vld [tilespmem:s23+$0xFFFFFF70]  }
0x130: {  	v7 =	vld [tilespmem:s23+$0xFFFFFF80]  }
0x131: {  	v6 =	vld.idx.msk [tilespmem:v6+s16+$0x0], $0xffff  }
0x132: {  	v8 =	vld [tilespmem:s23+$0xFFFFFF90]  }
0x133: {  	v9 =	vld [tilespmem:s23+$0xFFFFFFA0]  }
0x134: {  	v10 =	vld [tilespmem:s23+$0xFFFFFFB0]  }
0x135: {  	v11 =	vld [tilespmem:s23+$0xFFFFFFC0]  }
0x136: {  	s21 =	sadd.s32 $0x200, s21;
	v12 =	vld [tilespmem:s23+$0xFFFFFFD0]  }
0x137: {  	v13 =	vld [tilespmem:s23+$0xFFFFFFE0];
	[tilespmem:s21+$0x70] =	vst v6  }
0x138: {  	v6 =	vld [tilespmem:s23+$0xFFFFFFF0]  }
0x139: {  	v14 =	vld [tilespmem:s23+$0xFFFFFF10]  }
0x13a: {  	v0 =	vld.idx.msk [tilespmem:v0+s16+$0x0], $0xffff  }
0x13b: {  	v1 =	vld.idx.msk [tilespmem:v1+s16+$0x0], $0xffff  }
0x13c: {  	v2 =	vld.idx.msk [tilespmem:v2+s16+$0x0], $0xffff  }
0x13d: {  	v3 =	vld.idx.msk [tilespmem:v3+s16+$0x0], $0xffff  }
0x13e: {  	v4 =	vld.idx.msk [tilespmem:v4+s16+$0x0], $0xffff  }
0x13f: {  	v5 =	vld.idx.msk [tilespmem:v5+s16+$0x0], $0xffff  }
0x140: {  	[tilespmem:s21+$0xFFFFFF10] =	vst v0;
	v7 =	vld.idx.msk [tilespmem:v7+s16+$0x0], $0xffff  }
0x141: {  	v14 =	vld.idx.msk [tilespmem:v14+s16+$0x0], $0xffff;
	[tilespmem:s21+$0xFFFFFF20] =	vst v1  }
0x142: {  	[tilespmem:s21+$0xFFFFFF30] =	vst v2;
	v8 =	vld.idx.msk [tilespmem:v8+s16+$0x0], $0xffff  }
0x143: {  	[tilespmem:s21+$0xFFFFFF40] =	vst v3;
	v0 =	vld.idx.msk [tilespmem:v9+s16+$0x0], $0xffff  }
.Ltmp6:
0x144: {  	[tilespmem:s21+$0xFFFFFF50] =	vst v4;
	v1 =	vld.idx.msk [tilespmem:v10+s16+$0x0], $0xffff;
	(pc) =	sbr.rel @p0 .LBB2_14-.Ltmp6, $4  }
0x145: {  	[tilespmem:s21+$0xFFFFFF60] =	vst v5;
	v2 =	vld.idx.msk [tilespmem:v11+s16+$0x0], $0xffff  }
0x146: {  	[tilespmem:s21+$0xFFFFFF70] =	vst v7;
	v3 =	vld.idx.msk [tilespmem:v12+s16+$0x0], $0xffff  }
0x147: {  	[tilespmem:s21+$0xFFFFFF00] =	vst v14;
	v4 =	vld.idx.msk [tilespmem:v13+s16+$0x0], $0xffff  }
0x148: {  	s23 =	sadd.s32 $0x100, s23;
	[tilespmem:s21+$0x0] =	vst v8;
	v5 =	vld.idx.msk [tilespmem:v6+s16+$0x0], $0xffff  }
0x149: {  	[tilespmem:s21+$0x10] =	vst v0  }
0x14a: {  	[tilespmem:s21+$0x20] =	vst v1  }
0x14b: {  	[tilespmem:s21+$0x30] =	vst v2  }
0x14c: {  	[tilespmem:s21+$0x40] =	vst v3  }
0x14d: {  	s22 =	simm.s32 $0x1C780;
	[tilespmem:s21+$0x50] =	vst v4  }
0x14e: {  	s24 =	sadd.s32 $0x0, s8;
	s23 =	simm.s32 $0x1C880;
	[tilespmem:s21+$0x60] =	vst v5;
	s21 =	simm.s32 $0x80  }
.LBB2_16:
0x14f: {  	[hbm4b:s24+s3] =	stream.linear.scatter [tilespmem:s22], [sflag:$0x1], $0x80, $0x38;
	[tilespmem:$0x1E700] =	vst v63  }
0x150: {  	s24 =	smov.u32 s21;
	s22 =	smov.u32 s23;
	p0 =	sne.s32 s21, $0xF80  }
.Ltmp7:
0x151: {  	s21 =	sadd.s32 $0x80, s21;
	(pc) =	sbr.rel @p0 .LBB2_16-.Ltmp7, $2  }
0x152: {  	_ =	sdelay $0x2  }
0x153: {  	s23 =	sadd.s32 $0x100, s23;
	s24 =	sadd.s32 s24, s8  }
0x154: {  	[hbm4b:s24+s3] =	stream.linear.scatter [tilespmem:s22], [sflag:$0x1], $0x80, $0x38;
	[tilespmem:$0x1E700] =	vst v63  }
0x155: {  	s21 =	simm.s32 $0x80  }
0x156: {  	[tilespmem:s16], [sflag:$0x3] =	stream.strided.gather [hbm4b:s9+s21], $0x18700, s15, s21, $0x38;
	[tilespmem:$0x1E700] =	vst v63  }
0x157: {  	_ =	swait.ge [sflag:s17], $0x18700  }
0x158: {  	[sflag:s17] =	ssyncset.done $0x0  }
0x159: {  	[sflag:s17] =	ssyncadd.s32 $0xFFFE7900  }
0x15a: {  	_ =	swait.ge [sflag:s19], $0x1000  }
0x15b: {  	[sflag:s19] =	ssyncset.done $0x0  }
0x15c: {  	[sflag:s19] =	ssyncadd.s32 $0xFFFFF000  }
0x15d: {  	v0 =	vld [tilespmem:s21+$0x70]  }
0x15e: {  	v1 =	vld [tilespmem:s21+$0xFFFFFF90]  }
0x15f: {  	v2 =	vld [tilespmem:s21+$0xFFFFFFA0]  }
0x160: {  	v3 =	vld [tilespmem:s21+$0xFFFFFFB0]  }
0x161: {  	v4 =	vld [tilespmem:s21+$0xFFFFFFC0]  }
0x162: {  	v5 =	vld [tilespmem:s21+$0xFFFFFFD0]  }
0x163: {  	v6 =	vld [tilespmem:s21+$0xFFFFFFE0]  }
0x164: {  	v7 =	vld [tilespmem:s21+$0xFFFFFFF0]  }
0x165: {  	v8 =	vld [tilespmem:s21+$0x0]  }
0x166: {  	v9 =	vld [tilespmem:s21+$0x10]  }
0x167: {  	v10 =	vld [tilespmem:s21+$0x20]  }
0x168: {  	v11 =	vld [tilespmem:s21+$0x30]  }
0x169: {  	v12 =	vld [tilespmem:s21+$0x40]  }
0x16a: {  	v13 =	vld [tilespmem:s21+$0x50]  }
0x16b: {  	v14 =	vld [tilespmem:s21+$0x60]  }
0x16c: {  	v15 =	vld [tilespmem:s21+$0xFFFFFF80]  }
0x16d: {  	v0 =	vld.idx.msk [tilespmem:v0+s16+$0x0], $0xffff  }
0x16e: {  	v1 =	vld.idx.msk [tilespmem:v1+s16+$0x0], $0xffff  }
0x16f: {  	v2 =	vld.idx.msk [tilespmem:v2+s16+$0x0], $0xffff  }
0x170: {  	v3 =	vld.idx.msk [tilespmem:v3+s16+$0x0], $0xffff  }
0x171: {  	v4 =	vld.idx.msk [tilespmem:v4+s16+$0x0], $0xffff  }
0x172: {  	s21 =	simm.s32 $0x1C800;
	v5 =	vld.idx.msk [tilespmem:v5+s16+$0x0], $0xffff  }
0x173: {  	v6 =	vld.idx.msk [tilespmem:v6+s16+$0x0], $0xffff;
	[tilespmem:s21+$0x70] =	vst v0  }
0x174: {  	v7 =	vld.idx.msk [tilespmem:v7+s16+$0x0], $0xffff;
	[tilespmem:s21+$0xFFFFFF10] =	vst v1  }
0x175: {  	v15 =	vld.idx.msk [tilespmem:v15+s16+$0x0], $0xffff;
	[tilespmem:s21+$0xFFFFFF20] =	vst v2  }
0x176: {  	v8 =	vld.idx.msk [tilespmem:v8+s16+$0x0], $0xffff;
	[tilespmem:s21+$0xFFFFFF30] =	vst v3  }
0x177: {  	[tilespmem:s21+$0xFFFFFF40] =	vst v4;
	v0 =	vld.idx.msk [tilespmem:v9+s16+$0x0], $0xffff  }
0x178: {  	[tilespmem:s21+$0xFFFFFF50] =	vst v5;
	v1 =	vld.idx.msk [tilespmem:v10+s16+$0x0], $0xffff  }
0x179: {  	[tilespmem:s21+$0xFFFFFF60] =	vst v6;
	v2 =	vld.idx.msk [tilespmem:v11+s16+$0x0], $0xffff  }
0x17a: {  	[tilespmem:s21+$0xFFFFFF70] =	vst v7;
	v3 =	vld.idx.msk [tilespmem:v12+s16+$0x0], $0xffff  }
0x17b: {  	[tilespmem:s21+$0xFFFFFF00] =	vst v15;
	v4 =	vld.idx.msk [tilespmem:v13+s16+$0x0], $0xffff  }
0x17c: {  	s22 =	simm.s32 $0x0;
	s23 =	simm.s32 $0x180;
	[tilespmem:s21+$0x0] =	vst v8;
	v5 =	vld.idx.msk [tilespmem:v14+s16+$0x0], $0xffff  }
.LBB2_18:
0x17d: {  	v6 =	vld [tilespmem:s23+$0x70];
	s22 =	sadd.s32 $0x10, s22;
	[tilespmem:s21+$0x10] =	vst v0  }
0x17e: {  	v0 =	vld [tilespmem:s23+$0xFFFFFF90];
	p0 =	slt.u32 s22, $0xF0;
	[tilespmem:s21+$0x20] =	vst v1  }
0x17f: {  	v1 =	vld [tilespmem:s23+$0xFFFFFFA0];
	[tilespmem:s21+$0x30] =	vst v2  }
0x180: {  	v2 =	vld [tilespmem:s23+$0xFFFFFFB0];
	[tilespmem:s21+$0x40] =	vst v3  }
0x181: {  	v3 =	vld [tilespmem:s23+$0xFFFFFFC0];
	[tilespmem:s21+$0x50] =	vst v4  }
0x182: {  	v4 =	vld [tilespmem:s23+$0xFFFFFFD0];
	[tilespmem:s21+$0x60] =	vst v5  }
0x183: {  	v5 =	vld [tilespmem:s23+$0xFFFFFFE0]  }
0x184: {  	v7 =	vld [tilespmem:s23+$0xFFFFFFF0]  }
0x185: {  	v6 =	vld.idx.msk [tilespmem:v6+s16+$0x0], $0xffff  }
0x186: {  	v8 =	vld [tilespmem:s23+$0x0]  }
0x187: {  	v9 =	vld [tilespmem:s23+$0x10]  }
0x188: {  	v10 =	vld [tilespmem:s23+$0x20]  }
0x189: {  	v11 =	vld [tilespmem:s23+$0x30]  }
0x18a: {  	s21 =	sadd.s32 $0x200, s21;
	v12 =	vld [tilespmem:s23+$0x40]  }
0x18b: {  	v13 =	vld [tilespmem:s23+$0x50];
	[tilespmem:s21+$0x70] =	vst v6  }
0x18c: {  	v6 =	vld [tilespmem:s23+$0x60]  }
0x18d: {  	v14 =	vld [tilespmem:s23+$0xFFFFFF80]  }
0x18e: {  	v0 =	vld.idx.msk [tilespmem:v0+s16+$0x0], $0xffff  }
0x18f: {  	v1 =	vld.idx.msk [tilespmem:v1+s16+$0x0], $0xffff  }
0x190: {  	v2 =	vld.idx.msk [tilespmem:v2+s16+$0x0], $0xffff  }
0x191: {  	v3 =	vld.idx.msk [tilespmem:v3+s16+$0x0], $0xffff  }
0x192: {  	v4 =	vld.idx.msk [tilespmem:v4+s16+$0x0], $0xffff  }
0x193: {  	v5 =	vld.idx.msk [tilespmem:v5+s16+$0x0], $0xffff  }
0x194: {  	[tilespmem:s21+$0xFFFFFF10] =	vst v0;
	v7 =	vld.idx.msk [tilespmem:v7+s16+$0x0], $0xffff  }
0x195: {  	v14 =	vld.idx.msk [tilespmem:v14+s16+$0x0], $0xffff;
	[tilespmem:s21+$0xFFFFFF20] =	vst v1  }
0x196: {  	[tilespmem:s21+$0xFFFFFF30] =	vst v2;
	v8 =	vld.idx.msk [tilespmem:v8+s16+$0x0], $0xffff  }
0x197: {  	[tilespmem:s21+$0xFFFFFF40] =	vst v3;
	v0 =	vld.idx.msk [tilespmem:v9+s16+$0x0], $0xffff  }
.Ltmp8:
0x198: {  	[tilespmem:s21+$0xFFFFFF50] =	vst v4;
	v1 =	vld.idx.msk [tilespmem:v10+s16+$0x0], $0xffff;
	(pc) =	sbr.rel @p0 .LBB2_18-.Ltmp8, $4  }
0x199: {  	[tilespmem:s21+$0xFFFFFF60] =	vst v5;
	v2 =	vld.idx.msk [tilespmem:v11+s16+$0x0], $0xffff  }
0x19a: {  	[tilespmem:s21+$0xFFFFFF70] =	vst v7;
	v3 =	vld.idx.msk [tilespmem:v12+s16+$0x0], $0xffff  }
0x19b: {  	[tilespmem:s21+$0xFFFFFF00] =	vst v14;
	v4 =	vld.idx.msk [tilespmem:v13+s16+$0x0], $0xffff  }
0x19c: {  	s23 =	sadd.s32 $0x100, s23;
	[tilespmem:s21+$0x0] =	vst v8;
	v5 =	vld.idx.msk [tilespmem:v6+s16+$0x0], $0xffff  }
0x19d: {  	[tilespmem:s21+$0x10] =	vst v0  }
0x19e: {  	[tilespmem:s21+$0x20] =	vst v1  }
0x19f: {  	[tilespmem:s21+$0x30] =	vst v2  }
0x1a0: {  	[tilespmem:s21+$0x40] =	vst v3  }
0x1a1: {  	s22 =	simm.s32 $0x1C700;
	[tilespmem:s21+$0x50] =	vst v4  }
0x1a2: {  	s24 =	sadd.s32 $0x0, s10;
	s23 =	simm.s32 $0x1C800;
	[tilespmem:s21+$0x60] =	vst v5;
	s21 =	simm.s32 $0x80  }
.LBB2_20:
0x1a3: {  	[hbm4b:s24+s3] =	stream.linear.scatter [tilespmem:s22], [sflag:$0x1], $0x80, $0x38;
	[tilespmem:$0x1E700] =	vst v63  }
0x1a4: {  	s24 =	smov.u32 s21;
	s22 =	smov.u32 s23;
	p0 =	sne.s32 s21, $0xF80  }
.Ltmp9:
0x1a5: {  	s21 =	sadd.s32 $0x80, s21;
	(pc) =	sbr.rel @p0 .LBB2_20-.Ltmp9, $2  }
0x1a6: {  	_ =	sdelay $0x2  }
0x1a7: {  	s23 =	sadd.s32 $0x100, s23;
	s24 =	sadd.s32 s24, s10  }
0x1a8: {  	[hbm4b:s24+s3] =	stream.linear.scatter [tilespmem:s22], [sflag:$0x1], $0x80, $0x38;
	[tilespmem:$0x1E700] =	vst v63  }
0x1a9: {  	_ =	swait.ge [sflag:s19], $0x1000  }
0x1aa: {  	[sflag:s19] =	ssyncset.done $0x0  }
0x1ab: {  	s21 =	simm.s32 $0x10F0;
	[sflag:s19] =	ssyncadd.s32 $0xFFFFF000  }
0x1ac: {  	v0 =	vld [tilespmem:s21+$0x0]  }
0x1ad: {  	v1 =	vld [tilespmem:s21+$0xFFFFFF20]  }
0x1ae: {  	v2 =	vld [tilespmem:s21+$0xFFFFFF30]  }
0x1af: {  	v3 =	vld [tilespmem:s21+$0xFFFFFF40]  }
0x1b0: {  	v4 =	vld [tilespmem:s21+$0xFFFFFF50]  }
0x1b1: {  	v5 =	vld [tilespmem:s21+$0xFFFFFF60]  }
0x1b2: {  	v6 =	vld [tilespmem:s21+$0xFFFFFF70]  }
0x1b3: {  	v7 =	vld [tilespmem:s21+$0xFFFFFF80]  }
0x1b4: {  	v8 =	vld [tilespmem:s21+$0xFFFFFF90]  }
0x1b5: {  	v9 =	vld [tilespmem:s21+$0xFFFFFFA0]  }
0x1b6: {  	v10 =	vld [tilespmem:s21+$0xFFFFFFB0]  }
0x1b7: {  	v11 =	vld [tilespmem:s21+$0xFFFFFFC0]  }
0x1b8: {  	v12 =	vld [tilespmem:s21+$0xFFFFFFD0]  }
0x1b9: {  	v13 =	vld [tilespmem:s21+$0xFFFFFFE0]  }
0x1ba: {  	v14 =	vld [tilespmem:s21+$0xFFFFFFF0]  }
0x1bb: {  	v15 =	vld [tilespmem:s21+$0xFFFFFF10]  }
0x1bc: {  	v0 =	vld.idx.msk [tilespmem:v0+s16+$0x0], $0xffff  }
0x1bd: {  	v1 =	vld.idx.msk [tilespmem:v1+s16+$0x0], $0xffff  }
0x1be: {  	v2 =	vld.idx.msk [tilespmem:v2+s16+$0x0], $0xffff  }
0x1bf: {  	v3 =	vld.idx.msk [tilespmem:v3+s16+$0x0], $0xffff  }
0x1c0: {  	v4 =	vld.idx.msk [tilespmem:v4+s16+$0x0], $0xffff  }
0x1c1: {  	s21 =	simm.s32 $0x1C880;
	v5 =	vld.idx.msk [tilespmem:v5+s16+$0x0], $0xffff  }
0x1c2: {  	v6 =	vld.idx.msk [tilespmem:v6+s16+$0x0], $0xffff;
	[tilespmem:s21+$0x70] =	vst v0  }
0x1c3: {  	v7 =	vld.idx.msk [tilespmem:v7+s16+$0x0], $0xffff;
	[tilespmem:s21+$0xFFFFFF10] =	vst v1  }
0x1c4: {  	v15 =	vld.idx.msk [tilespmem:v15+s16+$0x0], $0xffff;
	[tilespmem:s21+$0xFFFFFF20] =	vst v2  }
0x1c5: {  	v8 =	vld.idx.msk [tilespmem:v8+s16+$0x0], $0xffff;
	[tilespmem:s21+$0xFFFFFF30] =	vst v3  }
0x1c6: {  	[tilespmem:s21+$0xFFFFFF40] =	vst v4;
	v0 =	vld.idx.msk [tilespmem:v9+s16+$0x0], $0xffff  }
0x1c7: {  	[tilespmem:s21+$0xFFFFFF50] =	vst v5;
	v1 =	vld.idx.msk [tilespmem:v10+s16+$0x0], $0xffff  }
0x1c8: {  	[tilespmem:s21+$0xFFFFFF60] =	vst v6;
	v2 =	vld.idx.msk [tilespmem:v11+s16+$0x0], $0xffff  }
0x1c9: {  	[tilespmem:s21+$0xFFFFFF70] =	vst v7;
	v3 =	vld.idx.msk [tilespmem:v12+s16+$0x0], $0xffff  }
0x1ca: {  	[tilespmem:s21+$0xFFFFFF00] =	vst v15;
	v4 =	vld.idx.msk [tilespmem:v13+s16+$0x0], $0xffff  }
0x1cb: {  	s22 =	simm.s32 $0x0;
	s23 =	simm.s32 $0x11F0;
	[tilespmem:s21+$0x0] =	vst v8;
	v5 =	vld.idx.msk [tilespmem:v14+s16+$0x0], $0xffff  }
.LBB2_22:
0x1cc: {  	v6 =	vld [tilespmem:s23+$0x0];
	s22 =	sadd.s32 $0x10, s22;
	[tilespmem:s21+$0x10] =	vst v0  }
0x1cd: {  	v0 =	vld [tilespmem:s23+$0xFFFFFF20];
	p0 =	slt.u32 s22, $0xF0;
	[tilespmem:s21+$0x20] =	vst v1  }
0x1ce: {  	v1 =	vld [tilespmem:s23+$0xFFFFFF30];
	[tilespmem:s21+$0x30] =	vst v2  }
0x1cf: {  	v2 =	vld [tilespmem:s23+$0xFFFFFF40];
	[tilespmem:s21+$0x40] =	vst v3  }
0x1d0: {  	v3 =	vld [tilespmem:s23+$0xFFFFFF50];
	[tilespmem:s21+$0x50] =	vst v4  }
0x1d1: {  	v4 =	vld [tilespmem:s23+$0xFFFFFF60];
	[tilespmem:s21+$0x60] =	vst v5  }
0x1d2: {  	v5 =	vld [tilespmem:s23+$0xFFFFFF70]  }
0x1d3: {  	v7 =	vld [tilespmem:s23+$0xFFFFFF80]  }
0x1d4: {  	v6 =	vld.idx.msk [tilespmem:v6+s16+$0x0], $0xffff  }
0x1d5: {  	v8 =	vld [tilespmem:s23+$0xFFFFFF90]  }
0x1d6: {  	v9 =	vld [tilespmem:s23+$0xFFFFFFA0]  }
0x1d7: {  	v10 =	vld [tilespmem:s23+$0xFFFFFFB0]  }
0x1d8: {  	v11 =	vld [tilespmem:s23+$0xFFFFFFC0]  }
0x1d9: {  	s21 =	sadd.s32 $0x200, s21;
	v12 =	vld [tilespmem:s23+$0xFFFFFFD0]  }
0x1da: {  	v13 =	vld [tilespmem:s23+$0xFFFFFFE0];
	[tilespmem:s21+$0x70] =	vst v6  }
0x1db: {  	v6 =	vld [tilespmem:s23+$0xFFFFFFF0]  }
0x1dc: {  	v14 =	vld [tilespmem:s23+$0xFFFFFF10]  }
0x1dd: {  	v0 =	vld.idx.msk [tilespmem:v0+s16+$0x0], $0xffff  }
0x1de: {  	v1 =	vld.idx.msk [tilespmem:v1+s16+$0x0], $0xffff  }
0x1df: {  	v2 =	vld.idx.msk [tilespmem:v2+s16+$0x0], $0xffff  }
0x1e0: {  	v3 =	vld.idx.msk [tilespmem:v3+s16+$0x0], $0xffff  }
0x1e1: {  	v4 =	vld.idx.msk [tilespmem:v4+s16+$0x0], $0xffff  }
0x1e2: {  	v5 =	vld.idx.msk [tilespmem:v5+s16+$0x0], $0xffff  }
0x1e3: {  	[tilespmem:s21+$0xFFFFFF10] =	vst v0;
	v7 =	vld.idx.msk [tilespmem:v7+s16+$0x0], $0xffff  }
0x1e4: {  	v14 =	vld.idx.msk [tilespmem:v14+s16+$0x0], $0xffff;
	[tilespmem:s21+$0xFFFFFF20] =	vst v1  }
0x1e5: {  	[tilespmem:s21+$0xFFFFFF30] =	vst v2;
	v8 =	vld.idx.msk [tilespmem:v8+s16+$0x0], $0xffff  }
0x1e6: {  	[tilespmem:s21+$0xFFFFFF40] =	vst v3;
	v0 =	vld.idx.msk [tilespmem:v9+s16+$0x0], $0xffff  }
.Ltmp10:
0x1e7: {  	[tilespmem:s21+$0xFFFFFF50] =	vst v4;
	v1 =	vld.idx.msk [tilespmem:v10+s16+$0x0], $0xffff;
	(pc) =	sbr.rel @p0 .LBB2_22-.Ltmp10, $4  }
0x1e8: {  	[tilespmem:s21+$0xFFFFFF60] =	vst v5;
	v2 =	vld.idx.msk [tilespmem:v11+s16+$0x0], $0xffff  }
0x1e9: {  	[tilespmem:s21+$0xFFFFFF70] =	vst v7;
	v3 =	vld.idx.msk [tilespmem:v12+s16+$0x0], $0xffff  }
0x1ea: {  	[tilespmem:s21+$0xFFFFFF00] =	vst v14;
	v4 =	vld.idx.msk [tilespmem:v13+s16+$0x0], $0xffff  }
0x1eb: {  	s23 =	sadd.s32 $0x100, s23;
	[tilespmem:s21+$0x0] =	vst v8;
	v5 =	vld.idx.msk [tilespmem:v6+s16+$0x0], $0xffff  }
0x1ec: {  	[tilespmem:s21+$0x10] =	vst v0  }
0x1ed: {  	[tilespmem:s21+$0x20] =	vst v1  }
0x1ee: {  	[tilespmem:s21+$0x30] =	vst v2  }
0x1ef: {  	[tilespmem:s21+$0x40] =	vst v3  }
0x1f0: {  	s22 =	simm.s32 $0x1C780;
	[tilespmem:s21+$0x50] =	vst v4  }
0x1f1: {  	s24 =	sadd.s32 $0x0, s11;
	s23 =	simm.s32 $0x1C880;
	[tilespmem:s21+$0x60] =	vst v5;
	s21 =	simm.s32 $0x80  }
.LBB2_24:
0x1f2: {  	[hbm4b:s24+s3] =	stream.linear.scatter [tilespmem:s22], [sflag:$0x1], $0x80, $0x38;
	[tilespmem:$0x1E700] =	vst v63  }
0x1f3: {  	s24 =	smov.u32 s21;
	s22 =	smov.u32 s23;
	p0 =	sne.s32 s21, $0xF80  }
.Ltmp11:
0x1f4: {  	s21 =	sadd.s32 $0x80, s21;
	(pc) =	sbr.rel @p0 .LBB2_24-.Ltmp11, $2  }
0x1f5: {  	_ =	sdelay $0x2  }
0x1f6: {  	s23 =	sadd.s32 $0x100, s23;
	s24 =	sadd.s32 s24, s11  }
0x1f7: {  	[hbm4b:s24+s3] =	stream.linear.scatter [tilespmem:s22], [sflag:$0x1], $0x80, $0x38;
	[tilespmem:$0x1E700] =	vst v63  }
0x1f8: {  	_ =	swait.ge [sflag:s19], $0x1000  }
0x1f9: {  	[sflag:s19] =	ssyncset.done $0x0  }
0x1fa: {  	s21 =	simm.s32 $0x20F0;
	[sflag:s19] =	ssyncadd.s32 $0xFFFFF000  }
0x1fb: {  	v0 =	vld [tilespmem:s21+$0x0]  }
0x1fc: {  	v1 =	vld [tilespmem:s21+$0xFFFFFF20]  }
0x1fd: {  	v2 =	vld [tilespmem:s21+$0xFFFFFF30]  }
0x1fe: {  	v3 =	vld [tilespmem:s21+$0xFFFFFF40]  }
0x1ff: {  	v4 =	vld [tilespmem:s21+$0xFFFFFF50]  }
0x200: {  	v5 =	vld [tilespmem:s21+$0xFFFFFF60]  }
0x201: {  	v6 =	vld [tilespmem:s21+$0xFFFFFF70]  }
0x202: {  	v7 =	vld [tilespmem:s21+$0xFFFFFF80]  }
0x203: {  	v8 =	vld [tilespmem:s21+$0xFFFFFF90]  }
0x204: {  	v9 =	vld [tilespmem:s21+$0xFFFFFFA0]  }
0x205: {  	v10 =	vld [tilespmem:s21+$0xFFFFFFB0]  }
0x206: {  	v11 =	vld [tilespmem:s21+$0xFFFFFFC0]  }
0x207: {  	v12 =	vld [tilespmem:s21+$0xFFFFFFD0]  }
0x208: {  	v13 =	vld [tilespmem:s21+$0xFFFFFFE0]  }
0x209: {  	v14 =	vld [tilespmem:s21+$0xFFFFFFF0]  }
0x20a: {  	v15 =	vld [tilespmem:s21+$0xFFFFFF10]  }
0x20b: {  	v0 =	vld.idx.msk [tilespmem:v0+s16+$0x0], $0xffff  }
0x20c: {  	v1 =	vld.idx.msk [tilespmem:v1+s16+$0x0], $0xffff  }
0x20d: {  	v2 =	vld.idx.msk [tilespmem:v2+s16+$0x0], $0xffff  }
0x20e: {  	v3 =	vld.idx.msk [tilespmem:v3+s16+$0x0], $0xffff  }
0x20f: {  	v4 =	vld.idx.msk [tilespmem:v4+s16+$0x0], $0xffff  }
0x210: {  	s21 =	simm.s32 $0x1C800;
	v5 =	vld.idx.msk [tilespmem:v5+s16+$0x0], $0xffff  }
0x211: {  	v6 =	vld.idx.msk [tilespmem:v6+s16+$0x0], $0xffff;
	[tilespmem:s21+$0x70] =	vst v0  }
0x212: {  	v7 =	vld.idx.msk [tilespmem:v7+s16+$0x0], $0xffff;
	[tilespmem:s21+$0xFFFFFF10] =	vst v1  }
0x213: {  	v15 =	vld.idx.msk [tilespmem:v15+s16+$0x0], $0xffff;
	[tilespmem:s21+$0xFFFFFF20] =	vst v2  }
0x214: {  	v8 =	vld.idx.msk [tilespmem:v8+s16+$0x0], $0xffff;
	[tilespmem:s21+$0xFFFFFF30] =	vst v3  }
0x215: {  	[tilespmem:s21+$0xFFFFFF40] =	vst v4;
	v0 =	vld.idx.msk [tilespmem:v9+s16+$0x0], $0xffff  }
0x216: {  	[tilespmem:s21+$0xFFFFFF50] =	vst v5;
	v1 =	vld.idx.msk [tilespmem:v10+s16+$0x0], $0xffff  }
0x217: {  	[tilespmem:s21+$0xFFFFFF60] =	vst v6;
	v2 =	vld.idx.msk [tilespmem:v11+s16+$0x0], $0xffff  }
0x218: {  	[tilespmem:s21+$0xFFFFFF70] =	vst v7;
	v3 =	vld.idx.msk [tilespmem:v12+s16+$0x0], $0xffff  }
0x219: {  	[tilespmem:s21+$0xFFFFFF00] =	vst v15;
	v4 =	vld.idx.msk [tilespmem:v13+s16+$0x0], $0xffff  }
0x21a: {  	s22 =	simm.s32 $0x0;
	s23 =	simm.s32 $0x21F0;
	[tilespmem:s21+$0x0] =	vst v8;
	v5 =	vld.idx.msk [tilespmem:v14+s16+$0x0], $0xffff  }
.LBB2_26:
0x21b: {  	v6 =	vld [tilespmem:s23+$0x0];
	s22 =	sadd.s32 $0x10, s22;
	[tilespmem:s21+$0x10] =	vst v0  }
0x21c: {  	v0 =	vld [tilespmem:s23+$0xFFFFFF20];
	p0 =	slt.u32 s22, $0xF0;
	[tilespmem:s21+$0x20] =	vst v1  }
0x21d: {  	v1 =	vld [tilespmem:s23+$0xFFFFFF30];
	[tilespmem:s21+$0x30] =	vst v2  }
0x21e: {  	v2 =	vld [tilespmem:s23+$0xFFFFFF40];
	[tilespmem:s21+$0x40] =	vst v3  }
0x21f: {  	v3 =	vld [tilespmem:s23+$0xFFFFFF50];
	[tilespmem:s21+$0x50] =	vst v4  }
0x220: {  	v4 =	vld [tilespmem:s23+$0xFFFFFF60];
	[tilespmem:s21+$0x60] =	vst v5  }
0x221: {  	v5 =	vld [tilespmem:s23+$0xFFFFFF70]  }
0x222: {  	v7 =	vld [tilespmem:s23+$0xFFFFFF80]  }
0x223: {  	v6 =	vld.idx.msk [tilespmem:v6+s16+$0x0], $0xffff  }
0x224: {  	v8 =	vld [tilespmem:s23+$0xFFFFFF90]  }
0x225: {  	v9 =	vld [tilespmem:s23+$0xFFFFFFA0]  }
0x226: {  	v10 =	vld [tilespmem:s23+$0xFFFFFFB0]  }
0x227: {  	v11 =	vld [tilespmem:s23+$0xFFFFFFC0]  }
0x228: {  	s21 =	sadd.s32 $0x200, s21;
	v12 =	vld [tilespmem:s23+$0xFFFFFFD0]  }
0x229: {  	v13 =	vld [tilespmem:s23+$0xFFFFFFE0];
	[tilespmem:s21+$0x70] =	vst v6  }
0x22a: {  	v6 =	vld [tilespmem:s23+$0xFFFFFFF0]  }
0x22b: {  	v14 =	vld [tilespmem:s23+$0xFFFFFF10]  }
0x22c: {  	v0 =	vld.idx.msk [tilespmem:v0+s16+$0x0], $0xffff  }
0x22d: {  	v1 =	vld.idx.msk [tilespmem:v1+s16+$0x0], $0xffff  }
0x22e: {  	v2 =	vld.idx.msk [tilespmem:v2+s16+$0x0], $0xffff  }
0x22f: {  	v3 =	vld.idx.msk [tilespmem:v3+s16+$0x0], $0xffff  }
0x230: {  	v4 =	vld.idx.msk [tilespmem:v4+s16+$0x0], $0xffff  }
0x231: {  	v5 =	vld.idx.msk [tilespmem:v5+s16+$0x0], $0xffff  }
0x232: {  	[tilespmem:s21+$0xFFFFFF10] =	vst v0;
	v7 =	vld.idx.msk [tilespmem:v7+s16+$0x0], $0xffff  }
0x233: {  	v14 =	vld.idx.msk [tilespmem:v14+s16+$0x0], $0xffff;
	[tilespmem:s21+$0xFFFFFF20] =	vst v1  }
0x234: {  	[tilespmem:s21+$0xFFFFFF30] =	vst v2;
	v8 =	vld.idx.msk [tilespmem:v8+s16+$0x0], $0xffff  }
0x235: {  	[tilespmem:s21+$0xFFFFFF40] =	vst v3;
	v0 =	vld.idx.msk [tilespmem:v9+s16+$0x0], $0xffff  }
.Ltmp12:
0x236: {  	[tilespmem:s21+$0xFFFFFF50] =	vst v4;
	v1 =	vld.idx.msk [tilespmem:v10+s16+$0x0], $0xffff;
	(pc) =	sbr.rel @p0 .LBB2_26-.Ltmp12, $4  }
0x237: {  	[tilespmem:s21+$0xFFFFFF60] =	vst v5;
	v2 =	vld.idx.msk [tilespmem:v11+s16+$0x0], $0xffff  }
0x238: {  	[tilespmem:s21+$0xFFFFFF70] =	vst v7;
	v3 =	vld.idx.msk [tilespmem:v12+s16+$0x0], $0xffff  }
0x239: {  	[tilespmem:s21+$0xFFFFFF00] =	vst v14;
	v4 =	vld.idx.msk [tilespmem:v13+s16+$0x0], $0xffff  }
0x23a: {  	s23 =	sadd.s32 $0x100, s23;
	[tilespmem:s21+$0x0] =	vst v8;
	v5 =	vld.idx.msk [tilespmem:v6+s16+$0x0], $0xffff  }
0x23b: {  	[tilespmem:s21+$0x10] =	vst v0  }
0x23c: {  	[tilespmem:s21+$0x20] =	vst v1  }
0x23d: {  	[tilespmem:s21+$0x30] =	vst v2  }
0x23e: {  	[tilespmem:s21+$0x40] =	vst v3  }
0x23f: {  	s22 =	simm.s32 $0x1C700;
	[tilespmem:s21+$0x50] =	vst v4  }
0x240: {  	s24 =	sadd.s32 $0x0, s12;
	s23 =	simm.s32 $0x1C800;
	[tilespmem:s21+$0x60] =	vst v5;
	s21 =	simm.s32 $0x80  }
.LBB2_28:
0x241: {  	[hbm4b:s24+s3] =	stream.linear.scatter [tilespmem:s22], [sflag:$0x1], $0x80, $0x38;
	[tilespmem:$0x1E700] =	vst v63  }
0x242: {  	s24 =	smov.u32 s21;
	s22 =	smov.u32 s23;
	p0 =	sne.s32 s21, $0xF80  }
.Ltmp13:
0x243: {  	s21 =	sadd.s32 $0x80, s21;
	(pc) =	sbr.rel @p0 .LBB2_28-.Ltmp13, $2  }
0x244: {  	_ =	sdelay $0x2  }
0x245: {  	s23 =	sadd.s32 $0x100, s23;
	s24 =	sadd.s32 s24, s12  }
0x246: {  	[hbm4b:s24+s3] =	stream.linear.scatter [tilespmem:s22], [sflag:$0x1], $0x80, $0x38;
	[tilespmem:$0x1E700] =	vst v63  }
0x247: {  	_ =	swait.ge [sflag:s19], $0x1000  }
0x248: {  	[sflag:s19] =	ssyncset.done $0x0  }
0x249: {  	s21 =	simm.s32 $0x30F0;
	[sflag:s19] =	ssyncadd.s32 $0xFFFFF000  }
0x24a: {  	v0 =	vld [tilespmem:s21+$0x0]  }
0x24b: {  	v1 =	vld [tilespmem:s21+$0xFFFFFF20]  }
0x24c: {  	v2 =	vld [tilespmem:s21+$0xFFFFFF30]  }
0x24d: {  	v3 =	vld [tilespmem:s21+$0xFFFFFF40]  }
0x24e: {  	v4 =	vld [tilespmem:s21+$0xFFFFFF50]  }
0x24f: {  	v5 =	vld [tilespmem:s21+$0xFFFFFF60]  }
0x250: {  	v6 =	vld [tilespmem:s21+$0xFFFFFF70]  }
0x251: {  	v7 =	vld [tilespmem:s21+$0xFFFFFF80]  }
0x252: {  	v8 =	vld [tilespmem:s21+$0xFFFFFF90]  }
0x253: {  	v9 =	vld [tilespmem:s21+$0xFFFFFFA0]  }
0x254: {  	v10 =	vld [tilespmem:s21+$0xFFFFFFB0]  }
0x255: {  	v11 =	vld [tilespmem:s21+$0xFFFFFFC0]  }
0x256: {  	v12 =	vld [tilespmem:s21+$0xFFFFFFD0]  }
0x257: {  	v13 =	vld [tilespmem:s21+$0xFFFFFFE0]  }
0x258: {  	v14 =	vld [tilespmem:s21+$0xFFFFFFF0]  }
0x259: {  	v15 =	vld [tilespmem:s21+$0xFFFFFF10]  }
0x25a: {  	v0 =	vld.idx.msk [tilespmem:v0+s16+$0x0], $0xffff  }
0x25b: {  	v1 =	vld.idx.msk [tilespmem:v1+s16+$0x0], $0xffff  }
0x25c: {  	v2 =	vld.idx.msk [tilespmem:v2+s16+$0x0], $0xffff  }
0x25d: {  	v3 =	vld.idx.msk [tilespmem:v3+s16+$0x0], $0xffff  }
0x25e: {  	v4 =	vld.idx.msk [tilespmem:v4+s16+$0x0], $0xffff  }
0x25f: {  	s21 =	simm.s32 $0x1C880;
	v5 =	vld.idx.msk [tilespmem:v5+s16+$0x0], $0xffff  }
0x260: {  	v6 =	vld.idx.msk [tilespmem:v6+s16+$0x0], $0xffff;
	[tilespmem:s21+$0x70] =	vst v0  }
0x261: {  	v7 =	vld.idx.msk [tilespmem:v7+s16+$0x0], $0xffff;
	[tilespmem:s21+$0xFFFFFF10] =	vst v1  }
0x262: {  	v15 =	vld.idx.msk [tilespmem:v15+s16+$0x0], $0xffff;
	[tilespmem:s21+$0xFFFFFF20] =	vst v2  }
0x263: {  	v8 =	vld.idx.msk [tilespmem:v8+s16+$0x0], $0xffff;
	[tilespmem:s21+$0xFFFFFF30] =	vst v3  }
0x264: {  	[tilespmem:s21+$0xFFFFFF40] =	vst v4;
	v0 =	vld.idx.msk [tilespmem:v9+s16+$0x0], $0xffff  }
0x265: {  	[tilespmem:s21+$0xFFFFFF50] =	vst v5;
	v1 =	vld.idx.msk [tilespmem:v10+s16+$0x0], $0xffff  }
0x266: {  	[tilespmem:s21+$0xFFFFFF60] =	vst v6;
	v2 =	vld.idx.msk [tilespmem:v11+s16+$0x0], $0xffff  }
0x267: {  	[tilespmem:s21+$0xFFFFFF70] =	vst v7;
	v3 =	vld.idx.msk [tilespmem:v12+s16+$0x0], $0xffff  }
0x268: {  	[tilespmem:s21+$0xFFFFFF00] =	vst v15;
	v4 =	vld.idx.msk [tilespmem:v13+s16+$0x0], $0xffff  }
0x269: {  	s22 =	simm.s32 $0x0;
	s23 =	simm.s32 $0x31F0;
	[tilespmem:s21+$0x0] =	vst v8;
	v5 =	vld.idx.msk [tilespmem:v14+s16+$0x0], $0xffff  }
.LBB2_30:
0x26a: {  	v6 =	vld [tilespmem:s23+$0x0];
	s22 =	sadd.s32 $0x10, s22;
	[tilespmem:s21+$0x10] =	vst v0  }
0x26b: {  	v0 =	vld [tilespmem:s23+$0xFFFFFF20];
	p0 =	slt.u32 s22, $0xF0;
	[tilespmem:s21+$0x20] =	vst v1  }
0x26c: {  	v1 =	vld [tilespmem:s23+$0xFFFFFF30];
	[tilespmem:s21+$0x30] =	vst v2  }
0x26d: {  	v2 =	vld [tilespmem:s23+$0xFFFFFF40];
	[tilespmem:s21+$0x40] =	vst v3  }
0x26e: {  	v3 =	vld [tilespmem:s23+$0xFFFFFF50];
	[tilespmem:s21+$0x50] =	vst v4  }
0x26f: {  	v4 =	vld [tilespmem:s23+$0xFFFFFF60];
	[tilespmem:s21+$0x60] =	vst v5  }
0x270: {  	v5 =	vld [tilespmem:s23+$0xFFFFFF70]  }
0x271: {  	v7 =	vld [tilespmem:s23+$0xFFFFFF80]  }
0x272: {  	v6 =	vld.idx.msk [tilespmem:v6+s16+$0x0], $0xffff  }
0x273: {  	v8 =	vld [tilespmem:s23+$0xFFFFFF90]  }
0x274: {  	v9 =	vld [tilespmem:s23+$0xFFFFFFA0]  }
0x275: {  	v10 =	vld [tilespmem:s23+$0xFFFFFFB0]  }
0x276: {  	v11 =	vld [tilespmem:s23+$0xFFFFFFC0]  }
0x277: {  	s21 =	sadd.s32 $0x200, s21;
	v12 =	vld [tilespmem:s23+$0xFFFFFFD0]  }
0x278: {  	v13 =	vld [tilespmem:s23+$0xFFFFFFE0];
	[tilespmem:s21+$0x70] =	vst v6  }
0x279: {  	v6 =	vld [tilespmem:s23+$0xFFFFFFF0]  }
0x27a: {  	v14 =	vld [tilespmem:s23+$0xFFFFFF10]  }
0x27b: {  	v0 =	vld.idx.msk [tilespmem:v0+s16+$0x0], $0xffff  }
0x27c: {  	v1 =	vld.idx.msk [tilespmem:v1+s16+$0x0], $0xffff  }
0x27d: {  	v2 =	vld.idx.msk [tilespmem:v2+s16+$0x0], $0xffff  }
0x27e: {  	v3 =	vld.idx.msk [tilespmem:v3+s16+$0x0], $0xffff  }
0x27f: {  	v4 =	vld.idx.msk [tilespmem:v4+s16+$0x0], $0xffff  }
0x280: {  	v5 =	vld.idx.msk [tilespmem:v5+s16+$0x0], $0xffff  }
0x281: {  	[tilespmem:s21+$0xFFFFFF10] =	vst v0;
	v7 =	vld.idx.msk [tilespmem:v7+s16+$0x0], $0xffff  }
0x282: {  	v14 =	vld.idx.msk [tilespmem:v14+s16+$0x0], $0xffff;
	[tilespmem:s21+$0xFFFFFF20] =	vst v1  }
0x283: {  	[tilespmem:s21+$0xFFFFFF30] =	vst v2;
	v8 =	vld.idx.msk [tilespmem:v8+s16+$0x0], $0xffff  }
0x284: {  	[tilespmem:s21+$0xFFFFFF40] =	vst v3;
	v0 =	vld.idx.msk [tilespmem:v9+s16+$0x0], $0xffff  }
.Ltmp14:
0x285: {  	[tilespmem:s21+$0xFFFFFF50] =	vst v4;
	v1 =	vld.idx.msk [tilespmem:v10+s16+$0x0], $0xffff;
	(pc) =	sbr.rel @p0 .LBB2_30-.Ltmp14, $4  }
0x286: {  	[tilespmem:s21+$0xFFFFFF60] =	vst v5;
	v2 =	vld.idx.msk [tilespmem:v11+s16+$0x0], $0xffff  }
0x287: {  	[tilespmem:s21+$0xFFFFFF70] =	vst v7;
	v3 =	vld.idx.msk [tilespmem:v12+s16+$0x0], $0xffff  }
0x288: {  	[tilespmem:s21+$0xFFFFFF00] =	vst v14;
	v4 =	vld.idx.msk [tilespmem:v13+s16+$0x0], $0xffff  }
0x289: {  	s23 =	sadd.s32 $0x100, s23;
	[tilespmem:s21+$0x0] =	vst v8;
	v5 =	vld.idx.msk [tilespmem:v6+s16+$0x0], $0xffff  }
0x28a: {  	[tilespmem:s21+$0x10] =	vst v0  }
0x28b: {  	[tilespmem:s21+$0x20] =	vst v1  }
0x28c: {  	[tilespmem:s21+$0x30] =	vst v2  }
0x28d: {  	[tilespmem:s21+$0x40] =	vst v3  }
0x28e: {  	s22 =	simm.s32 $0x1C780;
	[tilespmem:s21+$0x50] =	vst v4  }
0x28f: {  	s24 =	sadd.s32 $0x0, s13;
	s23 =	simm.s32 $0x1C880;
	[tilespmem:s21+$0x60] =	vst v5;
	s21 =	simm.s32 $0x80  }
.LBB2_32:
0x290: {  	[hbm4b:s24+s3] =	stream.linear.scatter [tilespmem:s22], [sflag:$0x1], $0x80, $0x38;
	[tilespmem:$0x1E700] =	vst v63  }
0x291: {  	s24 =	smov.u32 s21;
	s22 =	smov.u32 s23;
	p0 =	sne.s32 s21, $0xF80  }
.Ltmp15:
0x292: {  	s21 =	sadd.s32 $0x80, s21;
	(pc) =	sbr.rel @p0 .LBB2_32-.Ltmp15, $2  }
0x293: {  	_ =	sdelay $0x2  }
0x294: {  	s23 =	sadd.s32 $0x100, s23;
	s24 =	sadd.s32 s24, s13  }
0x295: {  	[hbm4b:s24+s3] =	stream.linear.scatter [tilespmem:s22], [sflag:$0x1], $0x80, $0x38;
	[tilespmem:$0x1E700] =	vst v63  }
0x296: {  	s20 =	sadd.s32 $0x1, s20  }
0x297: {  	_ =	swait.ge [sflag:s19], $0x1000;
	p0 =	sne.s32 s20, s14  }
.Ltmp16:
0x298: {  	[sflag:s19] =	ssyncset.done $0x0;
	(pc) =	sbr.rel @p0 .LBB2_1-.Ltmp16, $4  }
0x299: {  	[sflag:s19] =	ssyncadd.s32 $0xFFFFF000  }
0x29a: {  	_ =	swait.ge [sflag:s19], $0x1000  }
0x29b: {  	[sflag:s19] =	ssyncset.done $0x0  }
0x29c: {  	[sflag:s19] =	ssyncadd.s32 $0xFFFFF000  }
0x29d: {  	_ =	sfence.sel $0x180000  }
0x29e: {  	[bflag:$0x0] =	sbarrier.arrive $0xFFFF  }
0x29f: {  	p0 =	sne.s32 s2, $0x0;
	_ =	strace $0x90000047  }
0x2a0: {  	s0 =	sadd.s32 @!p0 $0x100000, s0;
	[bflag:$0x2] =	sbarrier.arrive $0xFFFF  }
0x2a1: {  	[sflag:s0] =	ssyncadd.tile.s32 @!p0 $0x1;
	_ =	shalt  }
.Lfunc_end2:
_tile_overlayer_lowered:
.L_overlay_start_2:
0x2a2: {  	(tag) =	ssettag $0x2  }
0x2a3: {  	s0 =	rddreg [dreg:$0x0];
	s2 =	stileid.u32  }
0x2a4: {  	s1 =	rddreg [dreg:$0x1];
	p0 =	sne.s32 s2, $0x0  }
0x2a5: {  	s3 =	rddreg [dreg:$0x2];
	[bflag:$0x3] =	sbarrier.arrive $0xFFFF;
	s2 =	simm.s32 @!p0 $0x1C03  }
0x2a6: {  	[timem:s3], [sflag:s2] =	dma.local @!p0 [hbm:s0], s1  }
0x2a7: {  	s0 =	simm.s32 @!p0 $0x3  }
0x2a8: {  	_ =	swait.ge @!p0 [sflag:s0], s1  }
0x2a9: {  	s1 =	ssub.s32 @!p0 $0x0, s1;
	[sflag:s0] =	ssyncset.done @!p0 $0x0  }
0x2aa: {  	[sflag:s0] =	ssyncadd.s32 @!p0 s1  }
0x2ab: {  	[bflag:$0x3] =	sbarrier.arrive $0xFFFF  }
0x2ac: {  	_ =	shalt  }

</sc_bundles>
